<compile_context>
chip_gen: v7x
topology: tpu7x:2x2x1
jax: 0.10.2.dev20260603
libtpu: 0.0.44.dev20260713+nightly
codegen_flags: <defaults>
</compile_context>

<pallas_src>
import functools

import jax
import jax.numpy as jnp
import numpy as np
from jax import lax
from jax.experimental import pallas as pl
from jax.experimental.pallas import tpu as pltpu
from jax.experimental.pallas import tpu_sc as plsc

N = 10000
K = 30
NP = 10240
NE = NP * K
NCOEF = 9
HC = 32
CTOT = 35
NHEADS = 8
VCH = 8
D = 384

KNN_R = 256
KNN_CCH = 1024
KNN_NCH = NP // KNN_CCH

AT_R = 64
AT_E = AT_R * K

SC_NC = 2
SC_NS = 16
SC_NW = SC_NC * SC_NS
SC_PER_W = NE // SC_NW
SC_CH = 320
SC_NIT = SC_PER_W // SC_CH

_SIGMA = np.float32(20.0 / 16)
_IDEAL = np.array([[-0.525, 1.363, 0.0], [0.0, 0.0, 0.0], [1.526, 0.0, 0.0]],
                  dtype=np.float32)


def _knn_body(tb_ref, tT_ref, bb_ref, bT_ref, out_ref, d2_ref, idxs_ref,
              cmin_ref, idx_scr):
    pid = pl.program_id(0)
    xb = tb_ref[...]
    bb = bb_ref[...]
    rowid = lax.broadcasted_iota(jnp.int32, (KNN_R, 1), 0) + pid * KNN_R
    liota = lax.broadcasted_iota(jnp.int32, (KNN_R, KNN_CCH), 1)

    def fill(c, _):
        x0 = xb[:, 0:1] - tT_ref[c, 0:1, :]
        x1 = xb[:, 1:2] - tT_ref[c, 1:2, :]
        x2 = xb[:, 2:3] - tT_ref[c, 2:3, :]
        d2 = (x0 * x0 + x1 * x1) + x2 * x2
        bm = bb != bT_ref[c, 0:1, :]
        d2 = jnp.where(bm, 1e9, d2)
        d2 = jnp.where(liota == rowid - c * KNN_CCH, 1e9, d2)
        d2_ref[c] = d2
        cmin_ref[c] = jnp.min(d2, axis=1, keepdims=True)
        return 0

    lax.fori_loop(0, KNN_NCH, fill, 0)

    ciota = lax.broadcasted_iota(jnp.int32, (KNN_NCH, KNN_R, 1), 0)

    def extract_one(i, _):
        cmin3 = cmin_ref[...]
        m = jnp.min(cmin3, axis=0)
        cbest = jnp.min(jnp.where(cmin3 == m[None], ciota, 1 << 30), axis=0)

        def scan(c, _):
            @pl.when(jnp.any(cbest == c))
            def _():
                ch = d2_ref[c]
                rowsel = cbest == c
                lidx = jnp.min(
                    jnp.where((ch == m) & rowsel, liota, 1 << 30),
                    axis=1, keepdims=True)
                ch_new = jnp.where(liota == lidx, 2e9, ch)
                d2_ref[c] = ch_new
                cmin_ref[c] = jnp.min(ch_new, axis=1, keepdims=True)
                idx_scr[...] = jnp.where(rowsel, lidx + c * KNN_CCH,
                                         idx_scr[...])
            return 0

        lax.fori_loop(0, KNN_NCH, scan, 0)
        idxs_ref[i] = idx_scr[...]
        return 0

    lax.fori_loop(0, K, extract_one, 0)
    for k in range(K):
        out_ref[:, k:k + 1] = idxs_ref[k]


def _knn(trans_pad, transT3, batch2d, batchT3):
    return pl.pallas_call(
        _knn_body,
        grid=(NP // KNN_R,),
        in_specs=[
            pl.BlockSpec((KNN_R, 3), lambda i: (i, 0)),
            pl.BlockSpec((KNN_NCH, 3, KNN_CCH), lambda i: (0, 0, 0)),
            pl.BlockSpec((KNN_R, 1), lambda i: (i, 0)),
            pl.BlockSpec((KNN_NCH, 1, KNN_CCH), lambda i: (0, 0, 0)),
        ],
        out_specs=pl.BlockSpec((KNN_R, K), lambda i: (i, 0)),
        out_shape=jax.ShapeDtypeStruct((NP, K), jnp.int32),
        scratch_shapes=[pltpu.VMEM((KNN_NCH, KNN_R, KNN_CCH), jnp.float32),
                        pltpu.VMEM((K, KNN_R, 1), jnp.int32),
                        pltpu.VMEM((KNN_NCH, KNN_R, 1), jnp.float32),
                        pltpu.VMEM((KNN_R, 1), jnp.int32)],
    )(trans_pad, transT3, batch2d, batchT3)


def _sc_gather_body(table_hbm, idx_hbm, out_hbm, idx_v, rows_v, sem):
    wid = lax.axis_index("s") * SC_NC + lax.axis_index("c")
    base = wid * SC_PER_W

    def body(it, _):
        off = base + it * SC_CH
        pltpu.sync_copy(idx_hbm.at[pl.ds(off, SC_CH)], idx_v)
        pltpu.async_copy(table_hbm.at[idx_v], rows_v, sem).wait()
        pltpu.sync_copy(rows_v, out_hbm.at[pl.ds(off, SC_CH)])
        return 0

    lax.fori_loop(0, SC_NIT, body, 0)


def _sc_gather(table, idx_flat):
    mesh = plsc.VectorSubcoreMesh(core_axis_name="c", subcore_axis_name="s")
    f = functools.partial(
        pl.kernel,
        mesh=mesh,
        out_type=jax.ShapeDtypeStruct((NE, D), jnp.float32),
        scratch_types=[
            pltpu.VMEM((SC_CH,), jnp.int32),
            pltpu.VMEM((SC_CH, D), jnp.float32),
            pltpu.SemaphoreType.DMA,
        ],
    )(_sc_gather_body)
    return f(table, idx_flat)


def _attn_body(g_ref, tab_ref, ne_ref, sf_ref,
               wadst_ref, wasrc_ref, we1_ref, we2_ref, we3_ref, bedge_ref,
               waeh_ref, wval_ref, phead_ref, wproj_ref, wff1_ref, tgate_ref,
               wff2_ref, out_ref):
    pid = pl.program_id(0)
    g = g_ref[...]
    tab = tab_ref[...]

    sdst = jnp.dot(tab, wadst_ref[...], preferred_element_type=jnp.float32)
    ssrc = jnp.dot(g, wasrc_ref[...], preferred_element_type=jnp.float32)

    vec = g[:, 0:3].reshape(AT_R, K, 3) - tab[:, 0:3].reshape(AT_R, 1, 3)
    dist2 = jnp.sum(vec * vec, axis=2, keepdims=True)
    dist = jnp.sqrt(dist2)
    sel = dist > 1e-3

    distf = dist.reshape(AT_E, 1)
    mu = lax.broadcasted_iota(jnp.int32, (1, 16), 1).astype(jnp.float32) \
        * (20.0 / 15.0)
    rbf = jnp.exp(-(((distf - mu) / _SIGMA) ** 2))
    dstf = (lax.broadcasted_iota(jnp.int32, (AT_R, K, 1), 0).reshape(AT_E, 1)
            + pid * AT_R).astype(jnp.float32)
    dd = sf_ref[...] - dstf
    freq = jnp.exp(lax.broadcasted_iota(jnp.int32, (1, 8), 1).astype(jnp.float32)
                   * jnp.float32(-2.0 / 16.0 * np.log(10000.0)))
    ang = dd * freq
    eh_lin = (jnp.dot(rbf, we1_ref[...], preferred_element_type=jnp.float32)
              + jnp.dot(jnp.cos(ang), we2_ref[...],
                        preferred_element_type=jnp.float32)
              + jnp.dot(jnp.sin(ang), we3_ref[...],
                        preferred_element_type=jnp.float32)
              + bedge_ref[...])
    eh = eh_lin * jax.nn.sigmoid(eh_lin)
    seh = jnp.dot(eh, waeh_ref[...], preferred_element_type=jnp.float32)

    sc_lin = (ssrc + seh).reshape(AT_R, K, NHEADS) + sdst.reshape(AT_R, 1, NHEADS)
    scores = jnp.where(sc_lin >= 0, sc_lin, 0.2 * sc_lin)
    scores = jnp.where(sel, scores, -jnp.inf)
    m = jnp.max(scores, axis=1, keepdims=True)
    e = jnp.where(sel, jnp.exp(scores - m), 0.0)
    den = jnp.sum(e, axis=1, keepdims=True)
    alpha = e / (den + 1e-9)

    amat = jnp.dot(alpha.reshape(AT_E, NHEADS), phead_ref[...],
                   preferred_element_type=jnp.float32)
    v = jnp.dot(g, wval_ref[...], preferred_element_type=jnp.float32)
    agg = jnp.sum((v * amat).reshape(AT_R, K, NCOEF * NHEADS * VCH), axis=1)
    attn = jnp.dot(agg, wproj_ref[...], preferred_element_type=jnp.float32)

    out0 = ne_ref[...] + attn
    h1 = jnp.dot(out0, wff1_ref[...], preferred_element_type=jnp.float32)
    sig = jax.nn.sigmoid(h1[:, 0:HC])
    tile = jnp.dot(sig, tgate_ref[...], preferred_element_type=jnp.float32)
    hg = h1 * tile
    out_ref[...] = out0 + jnp.dot(hg, wff2_ref[...],
                                  preferred_element_type=jnp.float32)


def _attn(gathered, table, ne_flat, src_f, weights):
    full = lambda shape: pl.BlockSpec(shape, lambda i: (0,) * len(shape))
    return pl.pallas_call(
        _attn_body,
        grid=(NP // AT_R,),
        in_specs=[
            pl.BlockSpec((AT_E, D), lambda i: (i, 0)),
            pl.BlockSpec((AT_R, D), lambda i: (i, 0)),
            pl.BlockSpec((AT_R, NCOEF * HC), lambda i: (i, 0)),
            pl.BlockSpec((AT_E, 1), lambda i: (i, 0)),
        ] + [full(w.shape) for w in weights],
        out_specs=pl.BlockSpec((AT_R, NCOEF * HC), lambda i: (i, 0)),
        out_shape=jax.ShapeDtypeStruct((NP, NCOEF * HC), jnp.float32),
    )(gathered, table, ne_flat, src_f, *weights)


def _build_weights(W_edge, b_edge, W_alpha, W_value, W_proj, W_ff1, W_ff2):
    f32 = jnp.float32
    wadst = jnp.zeros((D, NHEADS), f32).at[3:3 + CTOT].set(W_alpha[0:CTOT])
    wasrc = jnp.zeros((D, NHEADS), f32).at[3:3 + CTOT].set(W_alpha[CTOT:2 * CTOT])
    waeh = W_alpha[2 * CTOT:]
    V = NHEADS * VCH
    wval = jnp.zeros((D, NCOEF * V), f32)
    wproj = jnp.zeros((NCOEF * V, NCOEF * HC), f32)
    wff1 = jnp.zeros((NCOEF * HC, NCOEF * HC), f32)
    wff2 = jnp.zeros((NCOEF * HC, NCOEF * HC), f32)
    for l in range(NCOEF):
        wval = wval.at[3 + l * CTOT:3 + (l + 1) * CTOT,
                       l * V:(l + 1) * V].set(W_value)
        wproj = wproj.at[l * V:(l + 1) * V, l * HC:(l + 1) * HC].set(W_proj)
        wff1 = wff1.at[l * HC:(l + 1) * HC, l * HC:(l + 1) * HC].set(W_ff1)
        wff2 = wff2.at[l * HC:(l + 1) * HC, l * HC:(l + 1) * HC].set(W_ff2)
    ph = np.zeros((NHEADS, NCOEF * V), np.float32)
    for mcol in range(NCOEF * V):
        ph[(mcol % V) // VCH, mcol] = 1.0
    tg = np.zeros((HC, NCOEF * HC), np.float32)
    for l in range(NCOEF):
        for c in range(HC):
            tg[c, l * HC + c] = 1.0
    return [wadst, wasrc, W_edge[0:16], W_edge[16:24], W_edge[24:32],
            b_edge.reshape(1, HC), waeh,
            wval, jnp.asarray(ph), wproj, wff1, jnp.asarray(tg), wff2]


def kernel(trans, rots, node_emb, batch, x_mask, noising_mask,
           W_edge, b_edge, W_alpha, W_value, W_proj, W_ff1, W_ff2):
    f32 = jnp.float32
    frame_atoms = jnp.einsum('nij,aj->nai', rots, jnp.asarray(_IDEAL)) \
        + trans[:, None, :]
    fused = jnp.zeros((N, NCOEF, CTOT), f32)
    fused = fused.at[..., :HC].set(node_emb)
    fused = fused.at[:, 1:4, HC:].set(jnp.swapaxes(frame_atoms, -1, -2))
    editable = noising_mask & (~x_mask)
    fused = fused.at[:, 0, CTOT - 1].set(editable.astype(f32))

    table = jnp.concatenate(
        [trans, fused.reshape(N, NCOEF * CTOT),
         jnp.zeros((N, D - 3 - NCOEF * CTOT), f32)], axis=1)
    table = jnp.concatenate([table, jnp.zeros((NP - N, D), f32)], axis=0)

    trans_pad = table[:, 0:3]
    transT3 = trans_pad.T.reshape(3, KNN_NCH, KNN_CCH).transpose(1, 0, 2)
    batch_pad = jnp.concatenate(
        [batch.astype(jnp.int32), jnp.full((NP - N,), -1, jnp.int32)])
    batch2d = batch_pad.reshape(NP, 1)
    batchT3 = batch_pad.reshape(KNN_NCH, 1, KNN_CCH)

    nbr = _knn(trans_pad, transT3, batch2d, batchT3)
    idx_flat = nbr.reshape(NE)
    gathered = _sc_gather(table, idx_flat)

    src_f = nbr.reshape(NE, 1).astype(f32)
    ne_flat = jnp.concatenate(
        [node_emb.reshape(N, NCOEF * HC), jnp.zeros((NP - N, NCOEF * HC), f32)],
        axis=0)
    weights = _build_weights(W_edge, b_edge, W_alpha, W_value, W_proj,
                             W_ff1, W_ff2)
    out = _attn(gathered, table, ne_flat, src_f, weights)
    return out[:N].reshape(N, NCOEF, HC)

# --- scband reference (transcript-rebuilt; emitter-appended) ---
"""Pipeline reference for scband-latent-update-87935160418331 (READ-ONLY COPY).

The authoritative reference and input builder live on the scoring server;
editing this copy changes nothing except your own understanding.
"""

import jax, jax.numpy as jnp
import numpy as np

N = 10000
K = 30
NCOEF = 9
HC = 32
FC = 3
CTOT = HC + FC
NHEADS = 8
VCH = 8
NB = 20


def _knn_graph(X, k, batch):
    n = X.shape[0]
    nbrs = []
    chunk = 2500
    for s in range(0, n, chunk):
        xe = X[s:s + chunk]
        d2 = jnp.sum((xe[:, None, :] - X[None, :, :]) ** 2, axis=-1)
        bm = batch[s:s + chunk, None] != batch[None, :]
        d2 = jnp.where(bm, 1e9, d2)
        rows = jnp.arange(xe.shape[0])
        d2 = d2.at[rows, rows + s].set(1e9)
        _, idx = jax.lax.top_k(-d2, k)
        nbrs.append(idx)
    nbr = jnp.concatenate(nbrs, axis=0)
    src = nbr.reshape(-1)
    dst = jnp.repeat(jnp.arange(n), k)
    return jnp.stack([src, dst], axis=0)


def _rbf(d, n_bins=16, d_max=20.0):
    mu = jnp.linspace(0.0, d_max, n_bins)
    sigma = d_max / n_bins
    return jnp.exp(-(((d[:, None] - mu[None, :]) / sigma) ** 2))


def _edge_pos_emb(edge_index, num_embeddings=16):
    d = (edge_index[0] - edge_index[1]).astype(jnp.float32)
    freq = jnp.exp(-jnp.arange(0, num_embeddings, 2, dtype=jnp.float32) / num_embeddings * jnp.log(10000.0))
    ang = d[:, None] * freq[None, :]
    return jnp.concatenate([jnp.cos(ang), jnp.sin(ang)], axis=-1)


def _bb_atoms(rots, trans):
    ideal = jnp.array([[-0.525, 1.363, 0.0], [0.0, 0.0, 0.0], [1.526, 0.0, 0.0]], dtype=jnp.float32)
    return jnp.einsum('nij,aj->nai', rots, ideal) + trans[:, None, :]


def setup_inputs(seed: int = 0):
    key = jax.random.key(seed)
    ks = jax.random.split(key, 16)
    trans = jax.random.normal(ks[0], (N, 3), dtype=jnp.float32) * 10.0
    m = jax.random.normal(ks[1], (N, 3, 3), dtype=jnp.float32)
    rots, _ = jnp.linalg.qr(m)
    node_emb = jax.random.normal(ks[2], (N, NCOEF, HC), dtype=jnp.float32) * 0.1
    batch = jnp.sort(jax.random.randint(ks[3], (N,), 0, NB))
    x_mask = jax.random.bernoulli(ks[4], 0.1, (N,))
    noising_mask = jax.random.bernoulli(ks[5], 0.5, (N,))
    s = 0.05
    W_edge = jax.random.normal(ks[6], (32, 32), dtype=jnp.float32) * s
    b_edge = jnp.zeros((32,), dtype=jnp.float32)
    W_alpha = jax.random.normal(ks[7], (2 * CTOT + 32, NHEADS), dtype=jnp.float32) * s
    W_value = jax.random.normal(ks[8], (CTOT, NHEADS * VCH), dtype=jnp.float32) * s
    W_proj = jax.random.normal(ks[9], (NHEADS * VCH, HC), dtype=jnp.float32) * s
    W_ff1 = jax.random.normal(ks[10], (HC, HC), dtype=jnp.float32) * s
    W_ff2 = jax.random.normal(ks[11], (HC, HC), dtype=jnp.float32) * s
    return dict(trans=trans, rots=rots, node_emb=node_emb, batch=batch, x_mask=x_mask,
                noising_mask=noising_mask, W_edge=W_edge, b_edge=b_edge, W_alpha=W_alpha,
                W_value=W_value, W_proj=W_proj, W_ff1=W_ff1, W_ff2=W_ff2)


def reference(trans, rots, node_emb, batch, x_mask, noising_mask,
              W_edge, b_edge, W_alpha, W_value, W_proj, W_ff1, W_ff2):
    n = trans.shape[0]
    edge_index = _knn_graph(trans, K, batch)
    vec = trans[edge_index[0]] - trans[edge_index[1]]
    dist = jnp.linalg.norm(vec, axis=-1)
    sel = jnp.isfinite(dist) & (dist > 1e-3)
    edge_feat = jnp.concatenate([_rbf(dist), _edge_pos_emb(edge_index)], axis=-1)
    frame_atoms = _bb_atoms(rots, trans)
    fused = jnp.zeros((n, NCOEF, CTOT), dtype=node_emb.dtype)
    fused = fused.at[..., :HC].set(node_emb)
    fused = fused.at[:, 1:4, HC:].set(jnp.swapaxes(frame_atoms, -1, -2))
    editable = noising_mask & (~x_mask)
    fused = fused.at[:, 0, CTOT - 1].set(editable.astype(fused.dtype))
    src, dst = edge_index[0], edge_index[1]
    x_src = fused[src]
    x_dst = fused[dst]
    eh = jax.nn.silu(edge_feat @ W_edge + b_edge)
    a_in = jnp.concatenate([x_dst[:, 0, :], x_src[:, 0, :], eh], axis=-1)
    scores = jax.nn.leaky_relu(a_in @ W_alpha, 0.2)
    scores = jnp.where(sel[:, None], scores, -jnp.inf)
    m = jax.ops.segment_max(scores, dst, num_segments=n)
    e = jnp.where(sel[:, None], jnp.exp(scores - m[dst]), 0.0)
    denom = jax.ops.segment_sum(e, dst, num_segments=n)
    alpha = e / (denom[dst] + 1e-9)
    v = jnp.einsum('elc,cv->elv', x_src, W_value).reshape(-1, NCOEF, NHEADS, VCH)
    v = v * alpha[:, None, :, None]
    agg = jax.ops.segment_sum(v.reshape(-1, NCOEF, NHEADS * VCH), dst, num_segments=n)
    out = node_emb + agg @ W_proj
    h = out @ W_ff1
    h = h * jax.nn.sigmoid(h[:, 0:1, :])
    out = out + h @ W_ff2
    return out

if __name__ == "__main__":
    import jax
    _d = setup_inputs()
    print(jax.jit(kernel)(*tuple(_d.values())))

</pallas_src>

<mosaic_0001>
#map = affine_map<(d0, d1) -> (0, 0)>
#map1 = affine_map<(d0, d1) -> (0)>
module attributes {stable_mosaic.version = 14 : i64} {
  func.func @_sc_gather_body(%arg0: i32, %arg1: i32, %arg2: memref<10240x384xf32, #tpu.memory_space<hbm>>, %arg3: memref<307200xi32, #tpu.memory_space<hbm>>, %arg4: memref<307200x384xf32, #tpu.memory_space<hbm>>, %arg5: memref<320xi32, #tpu.memory_space<vmem>>, %arg6: memref<320x384xf32, #tpu.memory_space<vmem>>, %arg7: memref<!tpu.dma_semaphore, #tpu.memory_space<semaphore_mem>>) attributes {dimension_semantics = [#tpu.dimension_semantics<core_parallel>, #tpu.dimension_semantics<subcore_parallel>], iteration_bounds = array<i64: 2, 16>, scalar_prefetch = 0 : i64, scratch_operands = 3 : i64, tpu.core_type = #tpu.core_type<sc_vector_subcore>, window_params = [{transform_indices = #map}, {transform_indices = #map1}, {transform_indices = #map}]} {
    %mul3A = arith.constant 2 : i32
    %mul3A_0 = arith.muli %arg1, %mul3A : i32
    %add3A = arith.addi %mul3A_0, %arg0 : i32
    %mul3A_1 = arith.constant 9600 : i32
    %mul3A_2 = arith.muli %add3A, %mul3A_1 : i32
    %scan3A = arith.constant 0 : i32
    %scan3A_3 = arith.constant 0 : i32
    %scan3A_4 = arith.constant 30 : i32
    %scan3A_5 = arith.addi %scan3A_3, %scan3A_4 : i32
    %scan3A_6 = arith.constant 1 : i32
    %scan3A_7 = scf.for %scan3A_9 = %scan3A_3 to %scan3A_5 step %scan3A_6 iter_args(%scan3A_10 = %scan3A) -> (i32)  : i32 {
      %mul3A_11 = arith.constant 320 : i32
      %mul3A_12 = arith.muli %scan3A_9, %mul3A_11 : i32
      %add3A_13 = arith.addi %mul3A_2, %mul3A_12 : i32
      "tpu.region"() ({
        %run_scoped3A = tpu.sem_alloc : memref<!tpu.dma_semaphore, #tpu.memory_space<semaphore_mem>>
        %dma_start3A_19 = tpu.memref_slice %arg3[%add3A_13] : memref<307200xi32, #tpu.memory_space<hbm>> -> memref<320xi32, #tpu.memory_space<hbm>>
        %dma_start3A_20 = tpu.memref_slice %arg3[%add3A_13] : memref<307200xi32, #tpu.memory_space<hbm>> -> memref<320xi32, #tpu.memory_space<hbm>>
        tpu.enqueue_dma source(%dma_start3A_20 : memref<320xi32, #tpu.memory_space<hbm>>) target(%arg5 : memref<320xi32, #tpu.memory_space<vmem>>) target_semaphore(%run_scoped3A : memref<!tpu.dma_semaphore, #tpu.memory_space<semaphore_mem>>)
        %dma_wait3A_21 = tpu.memref_slice %arg3[%add3A_13] : memref<307200xi32, #tpu.memory_space<hbm>> -> memref<320xi32, #tpu.memory_space<hbm>>
        %dma_wait3A_22 = tpu.memref_slice %arg3[%add3A_13] : memref<307200xi32, #tpu.memory_space<hbm>> -> memref<320xi32, #tpu.memory_space<hbm>>
        tpu.wait_dma2 semaphore(%run_scoped3A : memref<!tpu.dma_semaphore, #tpu.memory_space<semaphore_mem>>) src(%dma_wait3A_22 : memref<320xi32, #tpu.memory_space<hbm>>) dst(%arg5 : memref<320xi32, #tpu.memory_space<vmem>>)
        tpu.yield
      }) : () -> ()
      %dma_start3A = arith.constant 0 : i32
      %dma_start3A_14 = arith.constant 0 : i32
      %dma_start3A_15 = tpu.memref_slice %arg2[%dma_start3A, %dma_start3A_14] : memref<10240x384xf32, #tpu.memory_space<hbm>> -> memref<10240x384xf32, #tpu.memory_space<hbm>>
      tpu.enqueue_indirect_dma source(%dma_start3A_15 : memref<10240x384xf32, #tpu.memory_space<hbm>>) target(%arg6 : memref<320x384xf32, #tpu.memory_space<vmem>>) offsets(%arg5 : memref<320xi32, #tpu.memory_space<vmem>>) semaphore(%arg7 : memref<!tpu.dma_semaphore, #tpu.memory_space<semaphore_mem>>)
      %dma_wait3A = arith.constant 0 : i32
      %dma_wait3A_16 = arith.constant 0 : i32
      %dma_wait3A_17 = tpu.memref_slice %arg2[%dma_wait3A, %dma_wait3A_16] : memref<10240x384xf32, #tpu.memory_space<hbm>> -> memref<10240x384xf32, #tpu.memory_space<hbm>>
      tpu.wait_indirect_dma semaphore(%arg7 : memref<!tpu.dma_semaphore, #tpu.memory_space<semaphore_mem>>) src(%dma_wait3A_17 : memref<10240x384xf32, #tpu.memory_space<hbm>>) dst(%arg6 : memref<320x384xf32, #tpu.memory_space<vmem>>)
      "tpu.region"() ({
        %run_scoped3A = tpu.sem_alloc : memref<!tpu.dma_semaphore, #tpu.memory_space<semaphore_mem>>
        %dma_start3A_19 = arith.constant 0 : i32
        %dma_start3A_20 = tpu.memref_slice %arg4[%add3A_13, %dma_start3A_19] : memref<307200x384xf32, #tpu.memory_space<hbm>> -> memref<320x384xf32, #tpu.memory_space<hbm>>
        %dma_start3A_21 = arith.constant 0 : i32
        %dma_start3A_22 = tpu.memref_slice %arg4[%add3A_13, %dma_start3A_21] : memref<307200x384xf32, #tpu.memory_space<hbm>> -> memref<320x384xf32, #tpu.memory_space<hbm>>
        tpu.enqueue_dma source(%arg6 : memref<320x384xf32, #tpu.memory_space<vmem>>) target(%dma_start3A_22 : memref<320x384xf32, #tpu.memory_space<hbm>>) target_semaphore(%run_scoped3A : memref<!tpu.dma_semaphore, #tpu.memory_space<semaphore_mem>>)
        %dma_wait3A_23 = arith.constant 0 : i32
        %dma_wait3A_24 = tpu.memref_slice %arg4[%add3A_13, %dma_wait3A_23] : memref<307200x384xf32, #tpu.memory_space<hbm>> -> memref<320x384xf32, #tpu.memory_space<hbm>>
        %dma_wait3A_25 = arith.constant 0 : i32
        %dma_wait3A_26 = tpu.memref_slice %arg4[%add3A_13, %dma_wait3A_25] : memref<307200x384xf32, #tpu.memory_space<hbm>> -> memref<320x384xf32, #tpu.memory_space<hbm>>
        tpu.wait_dma2 semaphore(%run_scoped3A : memref<!tpu.dma_semaphore, #tpu.memory_space<semaphore_mem>>) src(%arg6 : memref<320x384xf32, #tpu.memory_space<vmem>>) dst(%dma_wait3A_26 : memref<320x384xf32, #tpu.memory_space<hbm>>)
        tpu.yield
      }) : () -> ()
      %scan3A_18 = arith.constant 0 : i32
      scf.yield %scan3A_18 : i32
    }
    %scan3A_8 = arith.constant 30 : i32
    return
  }
}

module attributes {stable_mosaic.version = 14 : i64} {
  func.func @_knn_body(%arg0: i32, %arg1: memref<256x3xf32, #tpu.memory_space<vmem>>, %arg2: memref<10x3x1024xf32, #tpu.memory_space<vmem>>, %arg3: memref<256x1xi32, #tpu.memory_space<vmem>>, %arg4: memref<10x1x1024xi32, #tpu.memory_space<vmem>>, %arg5: memref<256x30xi32, #tpu.memory_space<vmem>>, %arg6: memref<10x256x1024xf32, #tpu.memory_space<vmem>>, %arg7: memref<30x256x1xi32, #tpu.memory_space<vmem>>, %arg8: memref<10x256x1xf32, #tpu.memory_space<vmem>>, %arg9: memref<256x1xi32, #tpu.memory_space<vmem>>) attributes {dimension_semantics = [#tpu.dimension_semantics<arbitrary>], iteration_bounds = array<i64: 40>, scalar_prefetch = 0 : i64, scratch_operands = 4 : i64, tpu.core_type = #tpu.core_type<tc>, window_params = [{transform_indices = @transform_0, window_bounds = array<i64: 256, 3>}, {pipeline_mode = #tpu.pipeline_mode<synchronous>, transform_indices = @transform_1, window_bounds = array<i64: 10, 3, 1024>}, {transform_indices = @transform_2, window_bounds = array<i64: 256, 1>}, {pipeline_mode = #tpu.pipeline_mode<synchronous>, transform_indices = @transform_3, window_bounds = array<i64: 10, 1, 1024>}, {transform_indices = @transform_4, window_bounds = array<i64: 256, 30>}]} {
    %get3A = arith.constant 0 : index
    %get3A_0 = arith.constant 0 : index
    %get3A_1 = vector.load %arg1[%get3A, %get3A_0] : memref<256x3xf32, #tpu.memory_space<vmem>>, vector<256x3xf32>
    %get3A_2 = arith.constant 0 : index
    %get3A_3 = arith.constant 0 : index
    %get3A_4 = vector.load %arg3[%get3A_2, %get3A_3] : memref<256x1xi32, #tpu.memory_space<vmem>>, vector<256x1xi32>
    %iota3A = tpu.iota {dimensions = array<i32: 0>} : vector<256x1xi32>
    %mul3A = arith.constant 256 : i32
    %mul3A_5 = arith.muli %arg0, %mul3A : i32
    %add3A = vector.broadcast %mul3A_5 : i32 to vector<256x1xi32>
    %add3A_6 = arith.addi %iota3A, %add3A : vector<256x1xi32>
    %iota3A_7 = tpu.iota {dimensions = array<i32: 1>} : vector<256x1024xi32>
    %scan3A = arith.constant 0 : i32
    %scan3A_8 = arith.constant 10 : i32
    %scan3A_9 = arith.addi %scan3A, %scan3A_8 : i32
    %scan3A_10 = arith.constant 1 : i32
    scf.for %scan3A_257 = %scan3A to %scan3A_9 step %scan3A_10  : i32 {
      %slice3A = vector.extract_strided_slice %get3A_1 {offsets = [0, 0], sizes = [256, 1], strides = [1, 1]} : vector<256x3xf32> to vector<256x1xf32>
      %get3A_258 = arith.index_cast %scan3A_257 : i32 to index
      %get3A_259 = arith.constant 0 : index
      %get3A_260 = arith.constant 0 : index
      %get3A_261 = vector.load %arg2[%get3A_258, %get3A_259, %get3A_260] : memref<10x3x1024xf32, #tpu.memory_space<vmem>>, vector<1x1x1024xf32>
      %get3A_262 = vector.shape_cast %get3A_261 : vector<1x1x1024xf32> to vector<1x1024xf32>
      %sub3A = vector.broadcast %slice3A : vector<256x1xf32> to vector<256x1024xf32>
      %sub3A_263 = vector.broadcast %get3A_262 : vector<1x1024xf32> to vector<256x1024xf32>
      %sub3A_264 = arith.subf %sub3A, %sub3A_263 : vector<256x1024xf32>
      %slice3A_265 = vector.extract_strided_slice %get3A_1 {offsets = [0, 1], sizes = [256, 1], strides = [1, 1]} : vector<256x3xf32> to vector<256x1xf32>
      %get3A_266 = arith.index_cast %scan3A_257 : i32 to index
      %get3A_267 = arith.constant 1 : index
      %get3A_268 = arith.constant 0 : index
      %get3A_269 = vector.load %arg2[%get3A_266, %get3A_267, %get3A_268] : memref<10x3x1024xf32, #tpu.memory_space<vmem>>, vector<1x1x1024xf32>
      %get3A_270 = vector.shape_cast %get3A_269 : vector<1x1x1024xf32> to vector<1x1024xf32>
      %sub3A_271 = vector.broadcast %slice3A_265 : vector<256x1xf32> to vector<256x1024xf32>
      %sub3A_272 = vector.broadcast %get3A_270 : vector<1x1024xf32> to vector<256x1024xf32>
      %sub3A_273 = arith.subf %sub3A_271, %sub3A_272 : vector<256x1024xf32>
      %slice3A_274 = vector.extract_strided_slice %get3A_1 {offsets = [0, 2], sizes = [256, 1], strides = [1, 1]} : vector<256x3xf32> to vector<256x1xf32>
      %get3A_275 = arith.index_cast %scan3A_257 : i32 to index
      %get3A_276 = arith.constant 2 : index
      %get3A_277 = arith.constant 0 : index
      %get3A_278 = vector.load %arg2[%get3A_275, %get3A_276, %get3A_277] : memref<10x3x1024xf32, #tpu.memory_space<vmem>>, vector<1x1x1024xf32>
      %get3A_279 = vector.shape_cast %get3A_278 : vector<1x1x1024xf32> to vector<1x1024xf32>
      %sub3A_280 = vector.broadcast %slice3A_274 : vector<256x1xf32> to vector<256x1024xf32>
      %sub3A_281 = vector.broadcast %get3A_279 : vector<1x1024xf32> to vector<256x1024xf32>
      %sub3A_282 = arith.subf %sub3A_280, %sub3A_281 : vector<256x1024xf32>
      %mul3A_283 = arith.mulf %sub3A_264, %sub3A_264 : vector<256x1024xf32>
      %mul3A_284 = arith.mulf %sub3A_273, %sub3A_273 : vector<256x1024xf32>
      %add3A_285 = arith.addf %mul3A_283, %mul3A_284 : vector<256x1024xf32>
      %mul3A_286 = arith.mulf %sub3A_282, %sub3A_282 : vector<256x1024xf32>
      %add3A_287 = arith.addf %add3A_285, %mul3A_286 : vector<256x1024xf32>
      %get3A_288 = arith.index_cast %scan3A_257 : i32 to index
      %get3A_289 = arith.constant 0 : index
      %get3A_290 = arith.constant 0 : index
      %get3A_291 = vector.load %arg4[%get3A_288, %get3A_289, %get3A_290] : memref<10x1x1024xi32, #tpu.memory_space<vmem>>, vector<1x1x1024xi32>
      %get3A_292 = vector.shape_cast %get3A_291 : vector<1x1x1024xi32> to vector<1x1024xi32>
      %ne3A = vector.broadcast %get3A_4 : vector<256x1xi32> to vector<256x1024xi32>
      %ne3A_293 = vector.broadcast %get3A_292 : vector<1x1024xi32> to vector<256x1024xi32>
      %ne3A_294 = arith.cmpi ne, %ne3A, %ne3A_293 : vector<256x1024xi32>
      %jit3A = arith.constant 1.000000e+09 : f32
      %broadcast_in_dim3A = vector.broadcast %jit3A : f32 to vector<256x1024xf32>
      %select_n3A = arith.select %ne3A_294, %broadcast_in_dim3A, %add3A_287 : vector<256x1024xi1>, vector<256x1024xf32>
      %mul3A_295 = arith.constant 1024 : i32
      %mul3A_296 = arith.muli %scan3A_257, %mul3A_295 : i32
      %sub3A_297 = vector.broadcast %mul3A_296 : i32 to vector<256x1xi32>
      %sub3A_298 = arith.subi %add3A_6, %sub3A_297 : vector<256x1xi32>
      %eq3A = vector.broadcast %sub3A_298 : vector<256x1xi32> to vector<256x1024xi32>
      %eq3A_299 = arith.cmpi eq, %iota3A_7, %eq3A : vector<256x1024xi32>
      %jit3A_300 = arith.constant 1.000000e+09 : f32
      %broadcast_in_dim3A_301 = vector.broadcast %jit3A_300 : f32 to vector<256x1024xf32>
      %select_n3A_302 = arith.select %eq3A_299, %broadcast_in_dim3A_301, %select_n3A : vector<256x1024xi1>, vector<256x1024xf32>
      %swap3A_303 = arith.index_cast %scan3A_257 : i32 to index
      %swap3A_304 = arith.constant 0 : index
      %swap3A_305 = arith.constant 0 : index
      %swap3A_306 = vector.load %arg6[%swap3A_303, %swap3A_304, %swap3A_305] : memref<10x256x1024xf32, #tpu.memory_space<vmem>>, vector<1x256x1024xf32>
      %swap3A_307 = vector.shape_cast %swap3A_306 : vector<1x256x1024xf32> to vector<256x1024xf32>
      %swap3A_308 = vector.shape_cast %select_n3A_302 : vector<256x1024xf32> to vector<1x256x1024xf32>
      tpu.vector_store %arg6[%swap3A_303, %swap3A_304, %swap3A_305], %swap3A_308 {strides = array<i32>} : memref<10x256x1024xf32, #tpu.memory_space<vmem>>, vector<1x256x1024xf32>,
      %reduce_min3A = arith.constant dense<0x7F800000> : vector<256xf32>
      %reduce_min3A_309 = vector.multi_reduction <minimumf>, %select_n3A_302, %reduce_min3A [1] : vector<256x1024xf32> to vector<256xf32>
      %broadcast_in_dim3A_310 = vector.shape_cast %reduce_min3A_309 : vector<256xf32> to vector<256x1xf32>
      %swap3A_311 = arith.index_cast %scan3A_257 : i32 to index
      %swap3A_312 = arith.constant 0 : index
      %swap3A_313 = arith.constant 0 : index
      %swap3A_314 = vector.load %arg8[%swap3A_311, %swap3A_312, %swap3A_313] : memref<10x256x1xf32, #tpu.memory_space<vmem>>, vector<1x256x1xf32>
      %swap3A_315 = vector.shape_cast %swap3A_314 : vector<1x256x1xf32> to vector<256x1xf32>
      %swap3A_316 = vector.shape_cast %broadcast_in_dim3A_310 : vector<256x1xf32> to vector<1x256x1xf32>
      tpu.vector_store %arg8[%swap3A_311, %swap3A_312, %swap3A_313], %swap3A_316 {strides = array<i32>} : memref<10x256x1xf32, #tpu.memory_space<vmem>>, vector<1x256x1xf32>,
    }
    %scan3A_11 = arith.constant 10 : i32
    %iota3A_12 = tpu.iota {dimensions = array<i32: 0>} : vector<10x256x1xi32>
    %scan3A_13 = arith.constant 0 : i32
    %scan3A_14 = arith.constant 30 : i32
    %scan3A_15 = arith.addi %scan3A_13, %scan3A_14 : i32
    %scan3A_16 = arith.constant 1 : i32
    scf.for %scan3A_257 = %scan3A_13 to %scan3A_15 step %scan3A_16  : i32 {
      %get3A_258 = arith.constant 0 : index
      %get3A_259 = arith.constant 0 : index
      %get3A_260 = arith.constant 0 : index
      %get3A_261 = vector.load %arg8[%get3A_258, %get3A_259, %get3A_260] : memref<10x256x1xf32, #tpu.memory_space<vmem>>, vector<10x256x1xf32>
      %reduce_min3A = arith.constant dense<0x7F800000> : vector<256x1xf32>
      %reduce_min3A_262 = vector.multi_reduction <minimumf>, %get3A_261, %reduce_min3A [0] : vector<10x256x1xf32> to vector<256x1xf32>
      %broadcast_in_dim3A = vector.shape_cast %reduce_min3A_262 : vector<256x1xf32> to vector<1x256x1xf32>
      %eq3A = vector.broadcast %broadcast_in_dim3A : vector<1x256x1xf32> to vector<10x256x1xf32>
      %eq3A_263 = arith.cmpf oeq, %get3A_261, %eq3A : vector<10x256x1xf32>
      %jit3A = arith.constant 1073741824 : i32
      %broadcast_in_dim3A_264 = vector.broadcast %jit3A : i32 to vector<10x256x1xi32>
      %select_n3A = arith.select %eq3A_263, %iota3A_12, %broadcast_in_dim3A_264 : vector<10x256x1xi1>, vector<10x256x1xi32>
      %reduce_min3A_265 = arith.constant dense<2147483647> : vector<256x1xi32>
      %reduce_min3A_266 = vector.multi_reduction <minsi>, %select_n3A, %reduce_min3A_265 [0] : vector<10x256x1xi32> to vector<256x1xi32>
      %scan3A_267 = arith.constant 0 : i32
      %scan3A_268 = arith.constant 10 : i32
      %scan3A_269 = arith.addi %scan3A_267, %scan3A_268 : i32
      %scan3A_270 = arith.constant 1 : i32
      scf.for %scan3A_281 = %scan3A_267 to %scan3A_269 step %scan3A_270  : i32 {
        %eq3A_282 = vector.broadcast %scan3A_281 : i32 to vector<256x1xi32>
        %eq3A_283 = arith.cmpi eq, %reduce_min3A_266, %eq3A_282 : vector<256x1xi32>
        %reduce_or3A = arith.constant 1.000000e+00 : f32
        %reduce_or3A_284 = arith.constant 0.000000e+00 : f32
        %reduce_or3A_285 = vector.broadcast %reduce_or3A : f32 to vector<256x1xf32>
        %reduce_or3A_286 = vector.broadcast %reduce_or3A_284 : f32 to vector<256x1xf32>
        %reduce_or3A_287 = arith.select %eq3A_283, %reduce_or3A_285, %reduce_or3A_286 : vector<256x1xi1>, vector<256x1xf32>
        %reduce_or3A_288 = vector.shape_cast %reduce_or3A_287 : vector<256x1xf32> to vector<1x256x1xf32>
        %reduce_or3A_289 = arith.constant dense<0xFF800000> : vector<1xf32>
        %reduce_or3A_290 = vector.multi_reduction <maximumf>, %reduce_or3A_288, %reduce_or3A_289 [1, 2] : vector<1x256x1xf32> to vector<1xf32>
        %reduce_or3A_291 = vector.shape_cast %reduce_or3A_290 : vector<1xf32> to vector<1x1x1xf32>
        %reduce_or3A_292 = vector.extract %reduce_or3A_291[0, 0, 0] : f32 from vector<1x1x1xf32>
        %reduce_or3A_293 = arith.constant 0.000000e+00 : f32
        %reduce_or3A_294 = arith.cmpf ogt, %reduce_or3A_292, %reduce_or3A_293 : f32
        %convert_element_type3A = arith.extui %reduce_or3A_294 : i1 to i32
        %cond3A = arith.constant 0 : i32
        %cond3A_295 = arith.cmpi ne, %convert_element_type3A, %cond3A : i32
        scf.if %cond3A_295 {
          %get3A_296 = arith.index_cast %scan3A_281 : i32 to index
          %get3A_297 = arith.constant 0 : index
          %get3A_298 = arith.constant 0 : index
          %get3A_299 = vector.load %arg6[%get3A_296, %get3A_297, %get3A_298] : memref<10x256x1024xf32, #tpu.memory_space<vmem>>, vector<1x256x1024xf32>
          %get3A_300 = vector.shape_cast %get3A_299 : vector<1x256x1024xf32> to vector<256x1024xf32>
          %eq3A_301 = vector.broadcast %scan3A_281 : i32 to vector<256x1xi32>
          %eq3A_302 = arith.cmpi eq, %reduce_min3A_266, %eq3A_301 : vector<256x1xi32>
          %eq3A_303 = vector.broadcast %reduce_min3A_262 : vector<256x1xf32> to vector<256x1024xf32>
          %eq3A_304 = arith.cmpf oeq, %get3A_300, %eq3A_303 : vector<256x1024xf32>
          %and3A = vector.broadcast %eq3A_302 : vector<256x1xi1> to vector<256x1024xi1>
          %and3A_305 = arith.andi %eq3A_304, %and3A : vector<256x1024xi1>
          %jit3A_306 = arith.constant 1073741824 : i32
          %broadcast_in_dim3A_307 = vector.broadcast %jit3A_306 : i32 to vector<256x1024xi32>
          %select_n3A_308 = arith.select %and3A_305, %iota3A_7, %broadcast_in_dim3A_307 : vector<256x1024xi1>, vector<256x1024xi32>
          %reduce_min3A_309 = arith.constant dense<2147483647> : vector<256xi32>
          %reduce_min3A_310 = vector.multi_reduction <minsi>, %select_n3A_308, %reduce_min3A_309 [1] : vector<256x1024xi32> to vector<256xi32>
          %broadcast_in_dim3A_311 = vector.shape_cast %reduce_min3A_310 : vector<256xi32> to vector<256x1xi32>
          %eq3A_312 = vector.broadcast %broadcast_in_dim3A_311 : vector<256x1xi32> to vector<256x1024xi32>
          %eq3A_313 = arith.cmpi eq, %iota3A_7, %eq3A_312 : vector<256x1024xi32>
          %jit3A_314 = arith.constant 2.000000e+09 : f32
          %broadcast_in_dim3A_315 = vector.broadcast %jit3A_314 : f32 to vector<256x1024xf32>
          %select_n3A_316 = arith.select %eq3A_313, %broadcast_in_dim3A_315, %get3A_300 : vector<256x1024xi1>, vector<256x1024xf32>
          %swap3A_317 = arith.index_cast %scan3A_281 : i32 to index
          %swap3A_318 = arith.constant 0 : index
          %swap3A_319 = arith.constant 0 : index
          %swap3A_320 = vector.load %arg6[%swap3A_317, %swap3A_318, %swap3A_319] : memref<10x256x1024xf32, #tpu.memory_space<vmem>>, vector<1x256x1024xf32>
          %swap3A_321 = vector.shape_cast %swap3A_320 : vector<1x256x1024xf32> to vector<256x1024xf32>
          %swap3A_322 = vector.shape_cast %select_n3A_316 : vector<256x1024xf32> to vector<1x256x1024xf32>
          tpu.vector_store %arg6[%swap3A_317, %swap3A_318, %swap3A_319], %swap3A_322 {strides = array<i32>} : memref<10x256x1024xf32, #tpu.memory_space<vmem>>, vector<1x256x1024xf32>,
          %reduce_min3A_323 = arith.constant dense<0x7F800000> : vector<256xf32>
          %reduce_min3A_324 = vector.multi_reduction <minimumf>, %select_n3A_316, %reduce_min3A_323 [1] : vector<256x1024xf32> to vector<256xf32>
          %broadcast_in_dim3A_325 = vector.shape_cast %reduce_min3A_324 : vector<256xf32> to vector<256x1xf32>
          %swap3A_326 = arith.index_cast %scan3A_281 : i32 to index
          %swap3A_327 = arith.constant 0 : index
          %swap3A_328 = arith.constant 0 : index
          %swap3A_329 = vector.load %arg8[%swap3A_326, %swap3A_327, %swap3A_328] : memref<10x256x1xf32, #tpu.memory_space<vmem>>, vector<1x256x1xf32>
          %swap3A_330 = vector.shape_cast %swap3A_329 : vector<1x256x1xf32> to vector<256x1xf32>
          %swap3A_331 = vector.shape_cast %broadcast_in_dim3A_325 : vector<256x1xf32> to vector<1x256x1xf32>
          tpu.vector_store %arg8[%swap3A_326, %swap3A_327, %swap3A_328], %swap3A_331 {strides = array<i32>} : memref<10x256x1xf32, #tpu.memory_space<vmem>>, vector<1x256x1xf32>,
          %mul3A_332 = arith.constant 1024 : i32
          %mul3A_333 = arith.muli %scan3A_281, %mul3A_332 : i32
          %add3A_334 = vector.broadcast %mul3A_333 : i32 to vector<256x1xi32>
          %add3A_335 = arith.addi %broadcast_in_dim3A_311, %add3A_334 : vector<256x1xi32>
          %get3A_336 = arith.constant 0 : index
          %get3A_337 = arith.constant 0 : index
          %get3A_338 = vector.load %arg9[%get3A_336, %get3A_337] : memref<256x1xi32, #tpu.memory_space<vmem>>, vector<256x1xi32>
          %select_n3A_339 = arith.select %eq3A_302, %add3A_335, %get3A_338 : vector<256x1xi1>, vector<256x1xi32>
          %swap3A_340 = arith.constant 0 : index
          %swap3A_341 = arith.constant 0 : index
          %swap3A_342 = vector.load %arg9[%swap3A_340, %swap3A_341] : memref<256x1xi32, #tpu.memory_space<vmem>>, vector<256x1xi32>
          tpu.vector_store %arg9[%swap3A_340, %swap3A_341], %select_n3A_339 {strides = array<i32>} : memref<256x1xi32, #tpu.memory_space<vmem>>, vector<256x1xi32>,
        } else {
        }
      }
      %scan3A_271 = arith.constant 10 : i32
      %get3A_272 = arith.constant 0 : index
      %get3A_273 = arith.constant 0 : index
      %get3A_274 = vector.load %arg9[%get3A_272, %get3A_273] : memref<256x1xi32, #tpu.memory_space<vmem>>, vector<256x1xi32>
      %swap3A_275 = arith.index_cast %scan3A_257 : i32 to index
      %swap3A_276 = arith.constant 0 : index
      %swap3A_277 = arith.constant 0 : index
      %swap3A_278 = vector.load %arg7[%swap3A_275, %swap3A_276, %swap3A_277] : memref<30x256x1xi32, #tpu.memory_space<vmem>>, vector<1x256x1xi32>
      %swap3A_279 = vector.shape_cast %swap3A_278 : vector<1x256x1xi32> to vector<256x1xi32>
      %swap3A_280 = vector.shape_cast %get3A_274 : vector<256x1xi32> to vector<1x256x1xi32>
      tpu.vector_store %arg7[%swap3A_275, %swap3A_276, %swap3A_277], %swap3A_280 {strides = array<i32>} : memref<30x256x1xi32, #tpu.memory_space<vmem>>, vector<1x256x1xi32>,
    }
    %scan3A_17 = arith.constant 30 : i32
    %get3A_18 = arith.constant 0 : index
    %get3A_19 = arith.constant 0 : index
    %get3A_20 = arith.constant 0 : index
    %get3A_21 = vector.load %arg7[%get3A_18, %get3A_19, %get3A_20] : memref<30x256x1xi32, #tpu.memory_space<vmem>>, vector<1x256x1xi32>
    %get3A_22 = vector.shape_cast %get3A_21 : vector<1x256x1xi32> to vector<256x1xi32>
    %swap3A = arith.constant 0 : index
    %swap3A_23 = arith.constant 0 : index
    %swap3A_24 = vector.load %arg5[%swap3A, %swap3A_23] : memref<256x30xi32, #tpu.memory_space<vmem>>, vector<256x1xi32>
    tpu.vector_store %arg5[%swap3A, %swap3A_23], %get3A_22 {strides = array<i32>} : memref<256x30xi32, #tpu.memory_space<vmem>>, vector<256x1xi32>,
    %get3A_25 = arith.constant 1 : index
    %get3A_26 = arith.constant 0 : index
    %get3A_27 = arith.constant 0 : index
    %get3A_28 = vector.load %arg7[%get3A_25, %get3A_26, %get3A_27] : memref<30x256x1xi32, #tpu.memory_space<vmem>>, vector<1x256x1xi32>
    %get3A_29 = vector.shape_cast %get3A_28 : vector<1x256x1xi32> to vector<256x1xi32>
    %swap3A_30 = arith.constant 0 : index
    %swap3A_31 = arith.constant 1 : index
    %swap3A_32 = vector.load %arg5[%swap3A_30, %swap3A_31] : memref<256x30xi32, #tpu.memory_space<vmem>>, vector<256x1xi32>
    tpu.vector_store %arg5[%swap3A_30, %swap3A_31], %get3A_29 {strides = array<i32>} : memref<256x30xi32, #tpu.memory_space<vmem>>, vector<256x1xi32>,
    %get3A_33 = arith.constant 2 : index
    %get3A_34 = arith.constant 0 : index
    %get3A_35 = arith.constant 0 : index
    %get3A_36 = vector.load %arg7[%get3A_33, %get3A_34, %get3A_35] : memref<30x256x1xi32, #tpu.memory_space<vmem>>, vector<1x256x1xi32>
    %get3A_37 = vector.shape_cast %get3A_36 : vector<1x256x1xi32> to vector<256x1xi32>
    %swap3A_38 = arith.constant 0 : index
    %swap3A_39 = arith.constant 2 : index
    %swap3A_40 = vector.load %arg5[%swap3A_38, %swap3A_39] : memref<256x30xi32, #tpu.memory_space<vmem>>, vector<256x1xi32>
    tpu.vector_store %arg5[%swap3A_38, %swap3A_39], %get3A_37 {strides = array<i32>} : memref<256x30xi32, #tpu.memory_space<vmem>>, vector<256x1xi32>,
    %get3A_41 = arith.constant 3 : index
    %get3A_42 = arith.constant 0 : index
    %get3A_43 = arith.constant 0 : index
    %get3A_44 = vector.load %arg7[%get3A_41, %get3A_42, %get3A_43] : memref<30x256x1xi32, #tpu.memory_space<vmem>>, vector<1x256x1xi32>
    %get3A_45 = vector.shape_cast %get3A_44 : vector<1x256x1xi32> to vector<256x1xi32>
    %swap3A_46 = arith.constant 0 : index
    %swap3A_47 = arith.constant 3 : index
    %swap3A_48 = vector.load %arg5[%swap3A_46, %swap3A_47] : memref<256x30xi32, #tpu.memory_space<vmem>>, vector<256x1xi32>
    tpu.vector_store %arg5[%swap3A_46, %swap3A_47], %get3A_45 {strides = array<i32>} : memref<256x30xi32, #tpu.memory_space<vmem>>, vector<256x1xi32>,
    %get3A_49 = arith.constant 4 : index
    %get3A_50 = arith.constant 0 : index
    %get3A_51 = arith.constant 0 : index
    %get3A_52 = vector.load %arg7[%get3A_49, %get3A_50, %get3A_51] : memref<30x256x1xi32, #tpu.memory_space<vmem>>, vector<1x256x1xi32>
    %get3A_53 = vector.shape_cast %get3A_52 : vector<1x256x1xi32> to vector<256x1xi32>
    %swap3A_54 = arith.constant 0 : index
    %swap3A_55 = arith.constant 4 : index
    %swap3A_56 = vector.load %arg5[%swap3A_54, %swap3A_55] : memref<256x30xi32, #tpu.memory_space<vmem>>, vector<256x1xi32>
    tpu.vector_store %arg5[%swap3A_54, %swap3A_55], %get3A_53 {strides = array<i32>} : memref<256x30xi32, #tpu.memory_space<vmem>>, vector<256x1xi32>,
    %get3A_57 = arith.constant 5 : index
    %get3A_58 = arith.constant 0 : index
    %get3A_59 = arith.constant 0 : index
    %get3A_60 = vector.load %arg7[%get3A_57, %get3A_58, %get3A_59] : memref<30x256x1xi32, #tpu.memory_space<vmem>>, vector<1x256x1xi32>
    %get3A_61 = vector.shape_cast %get3A_60 : vector<1x256x1xi32> to vector<256x1xi32>
    %swap3A_62 = arith.constant 0 : index
    %swap3A_63 = arith.constant 5 : index
    %swap3A_64 = vector.load %arg5[%swap3A_62, %swap3A_63] : memref<256x30xi32, #tpu.memory_space<vmem>>, vector<256x1xi32>
    tpu.vector_store %arg5[%swap3A_62, %swap3A_63], %get3A_61 {strides = array<i32>} : memref<256x30xi32, #tpu.memory_space<vmem>>, vector<256x1xi32>,
    %get3A_65 = arith.constant 6 : index
    %get3A_66 = arith.constant 0 : index
    %get3A_67 = arith.constant 0 : index
    %get3A_68 = vector.load %arg7[%get3A_65, %get3A_66, %get3A_67] : memref<30x256x1xi32, #tpu.memory_space<vmem>>, vector<1x256x1xi32>
    %get3A_69 = vector.shape_cast %get3A_68 : vector<1x256x1xi32> to vector<256x1xi32>
    %swap3A_70 = arith.constant 0 : index
    %swap3A_71 = arith.constant 6 : index
    %swap3A_72 = vector.load %arg5[%swap3A_70, %swap3A_71] : memref<256x30xi32, #tpu.memory_space<vmem>>, vector<256x1xi32>
    tpu.vector_store %arg5[%swap3A_70, %swap3A_71], %get3A_69 {strides = array<i32>} : memref<256x30xi32, #tpu.memory_space<vmem>>, vector<256x1xi32>,
    %get3A_73 = arith.constant 7 : index
    %get3A_74 = arith.constant 0 : index
    %get3A_75 = arith.constant 0 : index
    %get3A_76 = vector.load %arg7[%get3A_73, %get3A_74, %get3A_75] : memref<30x256x1xi32, #tpu.memory_space<vmem>>, vector<1x256x1xi32>
    %get3A_77 = vector.shape_cast %get3A_76 : vector<1x256x1xi32> to vector<256x1xi32>
    %swap3A_78 = arith.constant 0 : index
    %swap3A_79 = arith.constant 7 : index
    %swap3A_80 = vector.load %arg5[%swap3A_78, %swap3A_79] : memref<256x30xi32, #tpu.memory_space<vmem>>, vector<256x1xi32>
    tpu.vector_store %arg5[%swap3A_78, %swap3A_79], %get3A_77 {strides = array<i32>} : memref<256x30xi32, #tpu.memory_space<vmem>>, vector<256x1xi32>,
    %get3A_81 = arith.constant 8 : index
    %get3A_82 = arith.constant 0 : index
    %get3A_83 = arith.constant 0 : index
    %get3A_84 = vector.load %arg7[%get3A_81, %get3A_82, %get3A_83] : memref<30x256x1xi32, #tpu.memory_space<vmem>>, vector<1x256x1xi32>
    %get3A_85 = vector.shape_cast %get3A_84 : vector<1x256x1xi32> to vector<256x1xi32>
    %swap3A_86 = arith.constant 0 : index
    %swap3A_87 = arith.constant 8 : index
    %swap3A_88 = vector.load %arg5[%swap3A_86, %swap3A_87] : memref<256x30xi32, #tpu.memory_space<vmem>>, vector<256x1xi32>
    tpu.vector_store %arg5[%swap3A_86, %swap3A_87], %get3A_85 {strides = array<i32>} : memref<256x30xi32, #tpu.memory_space<vmem>>, vector<256x1xi32>,
    %get3A_89 = arith.constant 9 : index
    %get3A_90 = arith.constant 0 : index
    %get3A_91 = arith.constant 0 : index
    %get3A_92 = vector.load %arg7[%get3A_89, %get3A_90, %get3A_91] : memref<30x256x1xi32, #tpu.memory_space<vmem>>, vector<1x256x1xi32>
    %get3A_93 = vector.shape_cast %get3A_92 : vector<1x256x1xi32> to vector<256x1xi32>
    %swap3A_94 = arith.constant 0 : index
    %swap3A_95 = arith.constant 9 : index
    %swap3A_96 = vector.load %arg5[%swap3A_94, %swap3A_95] : memref<256x30xi32, #tpu.memory_space<vmem>>, vector<256x1xi32>
    tpu.vector_store %arg5[%swap3A_94, %swap3A_95], %get3A_93 {strides = array<i32>} : memref<256x30xi32, #tpu.memory_space<vmem>>, vector<256x1xi32>,
    %get3A_97 = arith.constant 10 : index
    %get3A_98 = arith.constant 0 : index
    %get3A_99 = arith.constant 0 : index
    %get3A_100 = vector.load %arg7[%get3A_97, %get3A_98, %get3A_99] : memref<30x256x1xi32, #tpu.memory_space<vmem>>, vector<1x256x1xi32>
    %get3A_101 = vector.shape_cast %get3A_100 : vector<1x256x1xi32> to vector<256x1xi32>
    %swap3A_102 = arith.constant 0 : index
    %swap3A_103 = arith.constant 10 : index
    %swap3A_104 = vector.load %arg5[%swap3A_102, %swap3A_103] : memref<256x30xi32, #tpu.memory_space<vmem>>, vector<256x1xi32>
    tpu.vector_store %arg5[%swap3A_102, %swap3A_103], %get3A_101 {strides = array<i32>} : memref<256x30xi32, #tpu.memory_space<vmem>>, vector<256x1xi32>,
    %get3A_105 = arith.constant 11 : index
    %get3A_106 = arith.constant 0 : index
    %get3A_107 = arith.constant 0 : index
    %get3A_108 = vector.load %arg7[%get3A_105, %get3A_106, %get3A_107] : memref<30x256x1xi32, #tpu.memory_space<vmem>>, vector<1x256x1xi32>
    %get3A_109 = vector.shape_cast %get3A_108 : vector<1x256x1xi32> to vector<256x1xi32>
    %swap3A_110 = arith.constant 0 : index
    %swap3A_111 = arith.constant 11 : index
    %swap3A_112 = vector.load %arg5[%swap3A_110, %swap3A_111] : memref<256x30xi32, #tpu.memory_space<vmem>>, vector<256x1xi32>
    tpu.vector_store %arg5[%swap3A_110, %swap3A_111], %get3A_109 {strides = array<i32>} : memref<256x30xi32, #tpu.memory_space<vmem>>, vector<256x1xi32>,
    %get3A_113 = arith.constant 12 : index
    %get3A_114 = arith.constant 0 : index
    %get3A_115 = arith.constant 0 : index
    %get3A_116 = vector.load %arg7[%get3A_113, %get3A_114, %get3A_115] : memref<30x256x1xi32, #tpu.memory_space<vmem>>, vector<1x256x1xi32>
    %get3A_117 = vector.shape_cast %get3A_116 : vector<1x256x1xi32> to vector<256x1xi32>
    %swap3A_118 = arith.constant 0 : index
    %swap3A_119 = arith.constant 12 : index
    %swap3A_120 = vector.load %arg5[%swap3A_118, %swap3A_119] : memref<256x30xi32, #tpu.memory_space<vmem>>, vector<256x1xi32>
    tpu.vector_store %arg5[%swap3A_118, %swap3A_119], %get3A_117 {strides = array<i32>} : memref<256x30xi32, #tpu.memory_space<vmem>>, vector<256x1xi32>,
    %get3A_121 = arith.constant 13 : index
    %get3A_122 = arith.constant 0 : index
    %get3A_123 = arith.constant 0 : index
    %get3A_124 = vector.load %arg7[%get3A_121, %get3A_122, %get3A_123] : memref<30x256x1xi32, #tpu.memory_space<vmem>>, vector<1x256x1xi32>
    %get3A_125 = vector.shape_cast %get3A_124 : vector<1x256x1xi32> to vector<256x1xi32>
    %swap3A_126 = arith.constant 0 : index
    %swap3A_127 = arith.constant 13 : index
    %swap3A_128 = vector.load %arg5[%swap3A_126, %swap3A_127] : memref<256x30xi32, #tpu.memory_space<vmem>>, vector<256x1xi32>
    tpu.vector_store %arg5[%swap3A_126, %swap3A_127], %get3A_125 {strides = array<i32>} : memref<256x30xi32, #tpu.memory_space<vmem>>, vector<256x1xi32>,
    %get3A_129 = arith.constant 14 : index
    %get3A_130 = arith.constant 0 : index
    %get3A_131 = arith.constant 0 : index
    %get3A_132 = vector.load %arg7[%get3A_129, %get3A_130, %get3A_131] : memref<30x256x1xi32, #tpu.memory_space<vmem>>, vector<1x256x1xi32>
    %get3A_133 = vector.shape_cast %get3A_132 : vector<1x256x1xi32> to vector<256x1xi32>
    %swap3A_134 = arith.constant 0 : index
    %swap3A_135 = arith.constant 14 : index
    %swap3A_136 = vector.load %arg5[%swap3A_134, %swap3A_135] : memref<256x30xi32, #tpu.memory_space<vmem>>, vector<256x1xi32>
    tpu.vector_store %arg5[%swap3A_134, %swap3A_135], %get3A_133 {strides = array<i32>} : memref<256x30xi32, #tpu.memory_space<vmem>>, vector<256x1xi32>,
    %get3A_137 = arith.constant 15 : index
    %get3A_138 = arith.constant 0 : index
    %get3A_139 = arith.constant 0 : index
    %get3A_140 = vector.load %arg7[%get3A_137, %get3A_138, %get3A_139] : memref<30x256x1xi32, #tpu.memory_space<vmem>>, vector<1x256x1xi32>
    %get3A_141 = vector.shape_cast %get3A_140 : vector<1x256x1xi32> to vector<256x1xi32>
    %swap3A_142 = arith.constant 0 : index
    %swap3A_143 = arith.constant 15 : index
    %swap3A_144 = vector.load %arg5[%swap3A_142, %swap3A_143] : memref<256x30xi32, #tpu.memory_space<vmem>>, vector<256x1xi32>
    tpu.vector_store %arg5[%swap3A_142, %swap3A_143], %get3A_141 {strides = array<i32>} : memref<256x30xi32, #tpu.memory_space<vmem>>, vector<256x1xi32>,
    %get3A_145 = arith.constant 16 : index
    %get3A_146 = arith.constant 0 : index
    %get3A_147 = arith.constant 0 : index
    %get3A_148 = vector.load %arg7[%get3A_145, %get3A_146, %get3A_147] : memref<30x256x1xi32, #tpu.memory_space<vmem>>, vector<1x256x1xi32>
    %get3A_149 = vector.shape_cast %get3A_148 : vector<1x256x1xi32> to vector<256x1xi32>
    %swap3A_150 = arith.constant 0 : index
    %swap3A_151 = arith.constant 16 : index
    %swap3A_152 = vector.load %arg5[%swap3A_150, %swap3A_151] : memref<256x30xi32, #tpu.memory_space<vmem>>, vector<256x1xi32>
    tpu.vector_store %arg5[%swap3A_150, %swap3A_151], %get3A_149 {strides = array<i32>} : memref<256x30xi32, #tpu.memory_space<vmem>>, vector<256x1xi32>,
    %get3A_153 = arith.constant 17 : index
    %get3A_154 = arith.constant 0 : index
    %get3A_155 = arith.constant 0 : index
    %get3A_156 = vector.load %arg7[%get3A_153, %get3A_154, %get3A_155] : memref<30x256x1xi32, #tpu.memory_space<vmem>>, vector<1x256x1xi32>
    %get3A_157 = vector.shape_cast %get3A_156 : vector<1x256x1xi32> to vector<256x1xi32>
    %swap3A_158 = arith.constant 0 : index
    %swap3A_159 = arith.constant 17 : index
    %swap3A_160 = vector.load %arg5[%swap3A_158, %swap3A_159] : memref<256x30xi32, #tpu.memory_space<vmem>>, vector<256x1xi32>
    tpu.vector_store %arg5[%swap3A_158, %swap3A_159], %get3A_157 {strides = array<i32>} : memref<256x30xi32, #tpu.memory_space<vmem>>, vector<256x1xi32>,
    %get3A_161 = arith.constant 18 : index
    %get3A_162 = arith.constant 0 : index
    %get3A_163 = arith.constant 0 : index
    %get3A_164 = vector.load %arg7[%get3A_161, %get3A_162, %get3A_163] : memref<30x256x1xi32, #tpu.memory_space<vmem>>, vector<1x256x1xi32>
    %get3A_165 = vector.shape_cast %get3A_164 : vector<1x256x1xi32> to vector<256x1xi32>
    %swap3A_166 = arith.constant 0 : index
    %swap3A_167 = arith.constant 18 : index
    %swap3A_168 = vector.load %arg5[%swap3A_166, %swap3A_167] : memref<256x30xi32, #tpu.memory_space<vmem>>, vector<256x1xi32>
    tpu.vector_store %arg5[%swap3A_166, %swap3A_167], %get3A_165 {strides = array<i32>} : memref<256x30xi32, #tpu.memory_space<vmem>>, vector<256x1xi32>,
    %get3A_169 = arith.constant 19 : index
    %get3A_170 = arith.constant 0 : index
    %get3A_171 = arith.constant 0 : index
    %get3A_172 = vector.load %arg7[%get3A_169, %get3A_170, %get3A_171] : memref<30x256x1xi32, #tpu.memory_space<vmem>>, vector<1x256x1xi32>
    %get3A_173 = vector.shape_cast %get3A_172 : vector<1x256x1xi32> to vector<256x1xi32>
    %swap3A_174 = arith.constant 0 : index
    %swap3A_175 = arith.constant 19 : index
    %swap3A_176 = vector.load %arg5[%swap3A_174, %swap3A_175] : memref<256x30xi32, #tpu.memory_space<vmem>>, vector<256x1xi32>
    tpu.vector_store %arg5[%swap3A_174, %swap3A_175], %get3A_173 {strides = array<i32>} : memref<256x30xi32, #tpu.memory_space<vmem>>, vector<256x1xi32>,
    %get3A_177 = arith.constant 20 : index
    %get3A_178 = arith.constant 0 : index
    %get3A_179 = arith.constant 0 : index
    %get3A_180 = vector.load %arg7[%get3A_177, %get3A_178, %get3A_179] : memref<30x256x1xi32, #tpu.memory_space<vmem>>, vector<1x256x1xi32>
    %get3A_181 = vector.shape_cast %get3A_180 : vector<1x256x1xi32> to vector<256x1xi32>
    %swap3A_182 = arith.constant 0 : index
    %swap3A_183 = arith.constant 20 : index
    %swap3A_184 = vector.load %arg5[%swap3A_182, %swap3A_183] : memref<256x30xi32, #tpu.memory_space<vmem>>, vector<256x1xi32>
    tpu.vector_store %arg5[%swap3A_182, %swap3A_183], %get3A_181 {strides = array<i32>} : memref<256x30xi32, #tpu.memory_space<vmem>>, vector<256x1xi32>,
    %get3A_185 = arith.constant 21 : index
    %get3A_186 = arith.constant 0 : index
    %get3A_187 = arith.constant 0 : index
    %get3A_188 = vector.load %arg7[%get3A_185, %get3A_186, %get3A_187] : memref<30x256x1xi32, #tpu.memory_space<vmem>>, vector<1x256x1xi32>
    %get3A_189 = vector.shape_cast %get3A_188 : vector<1x256x1xi32> to vector<256x1xi32>
    %swap3A_190 = arith.constant 0 : index
    %swap3A_191 = arith.constant 21 : index
    %swap3A_192 = vector.load %arg5[%swap3A_190, %swap3A_191] : memref<256x30xi32, #tpu.memory_space<vmem>>, vector<256x1xi32>
    tpu.vector_store %arg5[%swap3A_190, %swap3A_191], %get3A_189 {strides = array<i32>} : memref<256x30xi32, #tpu.memory_space<vmem>>, vector<256x1xi32>,
    %get3A_193 = arith.constant 22 : index
    %get3A_194 = arith.constant 0 : index
    %get3A_195 = arith.constant 0 : index
    %get3A_196 = vector.load %arg7[%get3A_193, %get3A_194, %get3A_195] : memref<30x256x1xi32, #tpu.memory_space<vmem>>, vector<1x256x1xi32>
    %get3A_197 = vector.shape_cast %get3A_196 : vector<1x256x1xi32> to vector<256x1xi32>
    %swap3A_198 = arith.constant 0 : index
    %swap3A_199 = arith.constant 22 : index
    %swap3A_200 = vector.load %arg5[%swap3A_198, %swap3A_199] : memref<256x30xi32, #tpu.memory_space<vmem>>, vector<256x1xi32>
    tpu.vector_store %arg5[%swap3A_198, %swap3A_199], %get3A_197 {strides = array<i32>} : memref<256x30xi32, #tpu.memory_space<vmem>>, vector<256x1xi32>,
    %get3A_201 = arith.constant 23 : index
    %get3A_202 = arith.constant 0 : index
    %get3A_203 = arith.constant 0 : index
    %get3A_204 = vector.load %arg7[%get3A_201, %get3A_202, %get3A_203] : memref<30x256x1xi32, #tpu.memory_space<vmem>>, vector<1x256x1xi32>
    %get3A_205 = vector.shape_cast %get3A_204 : vector<1x256x1xi32> to vector<256x1xi32>
    %swap3A_206 = arith.constant 0 : index
    %swap3A_207 = arith.constant 23 : index
    %swap3A_208 = vector.load %arg5[%swap3A_206, %swap3A_207] : memref<256x30xi32, #tpu.memory_space<vmem>>, vector<256x1xi32>
    tpu.vector_store %arg5[%swap3A_206, %swap3A_207], %get3A_205 {strides = array<i32>} : memref<256x30xi32, #tpu.memory_space<vmem>>, vector<256x1xi32>,
    %get3A_209 = arith.constant 24 : index
    %get3A_210 = arith.constant 0 : index
    %get3A_211 = arith.constant 0 : index
    %get3A_212 = vector.load %arg7[%get3A_209, %get3A_210, %get3A_211] : memref<30x256x1xi32, #tpu.memory_space<vmem>>, vector<1x256x1xi32>
    %get3A_213 = vector.shape_cast %get3A_212 : vector<1x256x1xi32> to vector<256x1xi32>
    %swap3A_214 = arith.constant 0 : index
    %swap3A_215 = arith.constant 24 : index
    %swap3A_216 = vector.load %arg5[%swap3A_214, %swap3A_215] : memref<256x30xi32, #tpu.memory_space<vmem>>, vector<256x1xi32>
    tpu.vector_store %arg5[%swap3A_214, %swap3A_215], %get3A_213 {strides = array<i32>} : memref<256x30xi32, #tpu.memory_space<vmem>>, vector<256x1xi32>,
    %get3A_217 = arith.constant 25 : index
    %get3A_218 = arith.constant 0 : index
    %get3A_219 = arith.constant 0 : index
    %get3A_220 = vector.load %arg7[%get3A_217, %get3A_218, %get3A_219] : memref<30x256x1xi32, #tpu.memory_space<vmem>>, vector<1x256x1xi32>
    %get3A_221 = vector.shape_cast %get3A_220 : vector<1x256x1xi32> to vector<256x1xi32>
    %swap3A_222 = arith.constant 0 : index
    %swap3A_223 = arith.constant 25 : index
    %swap3A_224 = vector.load %arg5[%swap3A_222, %swap3A_223] : memref<256x30xi32, #tpu.memory_space<vmem>>, vector<256x1xi32>
    tpu.vector_store %arg5[%swap3A_222, %swap3A_223], %get3A_221 {strides = array<i32>} : memref<256x30xi32, #tpu.memory_space<vmem>>, vector<256x1xi32>,
    %get3A_225 = arith.constant 26 : index
    %get3A_226 = arith.constant 0 : index
    %get3A_227 = arith.constant 0 : index
    %get3A_228 = vector.load %arg7[%get3A_225, %get3A_226, %get3A_227] : memref<30x256x1xi32, #tpu.memory_space<vmem>>, vector<1x256x1xi32>
    %get3A_229 = vector.shape_cast %get3A_228 : vector<1x256x1xi32> to vector<256x1xi32>
    %swap3A_230 = arith.constant 0 : index
    %swap3A_231 = arith.constant 26 : index
    %swap3A_232 = vector.load %arg5[%swap3A_230, %swap3A_231] : memref<256x30xi32, #tpu.memory_space<vmem>>, vector<256x1xi32>
    tpu.vector_store %arg5[%swap3A_230, %swap3A_231], %get3A_229 {strides = array<i32>} : memref<256x30xi32, #tpu.memory_space<vmem>>, vector<256x1xi32>,
    %get3A_233 = arith.constant 27 : index
    %get3A_234 = arith.constant 0 : index
    %get3A_235 = arith.constant 0 : index
    %get3A_236 = vector.load %arg7[%get3A_233, %get3A_234, %get3A_235] : memref<30x256x1xi32, #tpu.memory_space<vmem>>, vector<1x256x1xi32>
    %get3A_237 = vector.shape_cast %get3A_236 : vector<1x256x1xi32> to vector<256x1xi32>
    %swap3A_238 = arith.constant 0 : index
    %swap3A_239 = arith.constant 27 : index
    %swap3A_240 = vector.load %arg5[%swap3A_238, %swap3A_239] : memref<256x30xi32, #tpu.memory_space<vmem>>, vector<256x1xi32>
    tpu.vector_store %arg5[%swap3A_238, %swap3A_239], %get3A_237 {strides = array<i32>} : memref<256x30xi32, #tpu.memory_space<vmem>>, vector<256x1xi32>,
    %get3A_241 = arith.constant 28 : index
    %get3A_242 = arith.constant 0 : index
    %get3A_243 = arith.constant 0 : index
    %get3A_244 = vector.load %arg7[%get3A_241, %get3A_242, %get3A_243] : memref<30x256x1xi32, #tpu.memory_space<vmem>>, vector<1x256x1xi32>
    %get3A_245 = vector.shape_cast %get3A_244 : vector<1x256x1xi32> to vector<256x1xi32>
    %swap3A_246 = arith.constant 0 : index
    %swap3A_247 = arith.constant 28 : index
    %swap3A_248 = vector.load %arg5[%swap3A_246, %swap3A_247] : memref<256x30xi32, #tpu.memory_space<vmem>>, vector<256x1xi32>
    tpu.vector_store %arg5[%swap3A_246, %swap3A_247], %get3A_245 {strides = array<i32>} : memref<256x30xi32, #tpu.memory_space<vmem>>, vector<256x1xi32>,
    %get3A_249 = arith.constant 29 : index
    %get3A_250 = arith.constant 0 : index
    %get3A_251 = arith.constant 0 : index
    %get3A_252 = vector.load %arg7[%get3A_249, %get3A_250, %get3A_251] : memref<30x256x1xi32, #tpu.memory_space<vmem>>, vector<1x256x1xi32>
    %get3A_253 = vector.shape_cast %get3A_252 : vector<1x256x1xi32> to vector<256x1xi32>
    %swap3A_254 = arith.constant 0 : index
    %swap3A_255 = arith.constant 29 : index
    %swap3A_256 = vector.load %arg5[%swap3A_254, %swap3A_255] : memref<256x30xi32, #tpu.memory_space<vmem>>, vector<256x1xi32>
    tpu.vector_store %arg5[%swap3A_254, %swap3A_255], %get3A_253 {strides = array<i32>} : memref<256x30xi32, #tpu.memory_space<vmem>>, vector<256x1xi32>,
    return
  }
  func.func @transform_0(%arg0: i32) -> (i32, i32) {
    %c0_i32 = arith.constant 0 : i32
    %c0_i32_0 = arith.constant 0 : i32
    return %arg0, %c0_i32 : i32, i32
  }
  func.func @transform_1(%arg0: i32) -> (i32, i32, i32) {
    %c0_i32 = arith.constant 0 : i32
    %c0_i32_0 = arith.constant 0 : i32
    %c0_i32_1 = arith.constant 0 : i32
    %c0_i32_2 = arith.constant 0 : i32
    return %c0_i32, %c0_i32_0, %c0_i32_1 : i32, i32, i32
  }
  func.func @transform_2(%arg0: i32) -> (i32, i32) {
    %c0_i32 = arith.constant 0 : i32
    %c0_i32_0 = arith.constant 0 : i32
    return %arg0, %c0_i32 : i32, i32
  }
  func.func @transform_3(%arg0: i32) -> (i32, i32, i32) {
    %c0_i32 = arith.constant 0 : i32
    %c0_i32_0 = arith.constant 0 : i32
    %c0_i32_1 = arith.constant 0 : i32
    %c0_i32_2 = arith.constant 0 : i32
    return %c0_i32, %c0_i32_0, %c0_i32_1 : i32, i32, i32
  }
  func.func @transform_4(%arg0: i32) -> (i32, i32) {
    %c0_i32 = arith.constant 0 : i32
    %c0_i32_0 = arith.constant 0 : i32
    return %arg0, %c0_i32 : i32, i32
  }
}

module attributes {stable_mosaic.version = 14 : i64} {
  func.func @_attn_body(%arg0: i32, %arg1: memref<1920x384xf32, #tpu.memory_space<vmem>>, %arg2: memref<64x384xf32, #tpu.memory_space<vmem>>, %arg3: memref<64x288xf32, #tpu.memory_space<vmem>>, %arg4: memref<1920x1xf32, #tpu.memory_space<vmem>>, %arg5: memref<384x8xf32, #tpu.memory_space<vmem>>, %arg6: memref<384x8xf32, #tpu.memory_space<vmem>>, %arg7: memref<16x32xf32, #tpu.memory_space<vmem>>, %arg8: memref<8x32xf32, #tpu.memory_space<vmem>>, %arg9: memref<8x32xf32, #tpu.memory_space<vmem>>, %arg10: memref<1x32xf32, #tpu.memory_space<vmem>>, %arg11: memref<32x8xf32, #tpu.memory_space<vmem>>, %arg12: memref<384x576xf32, #tpu.memory_space<vmem>>, %arg13: memref<8x576xf32, #tpu.memory_space<vmem>>, %arg14: memref<576x288xf32, #tpu.memory_space<vmem>>, %arg15: memref<288x288xf32, #tpu.memory_space<vmem>>, %arg16: memref<32x288xf32, #tpu.memory_space<vmem>>, %arg17: memref<288x288xf32, #tpu.memory_space<vmem>>, %arg18: memref<64x288xf32, #tpu.memory_space<vmem>>) attributes {dimension_semantics = [#tpu.dimension_semantics<arbitrary>], iteration_bounds = array<i64: 160>, scalar_prefetch = 0 : i64, scratch_operands = 0 : i64, tpu.core_type = #tpu.core_type<tc>, window_params = [{transform_indices = @transform_0, window_bounds = array<i64: 1920, 384>}, {transform_indices = @transform_1, window_bounds = array<i64: 64, 384>}, {transform_indices = @transform_2, window_bounds = array<i64: 64, 288>}, {transform_indices = @transform_3, window_bounds = array<i64: 1920, 1>}, {pipeline_mode = #tpu.pipeline_mode<synchronous>, transform_indices = @transform_4, window_bounds = array<i64: 384, 8>}, {pipeline_mode = #tpu.pipeline_mode<synchronous>, transform_indices = @transform_5, window_bounds = array<i64: 384, 8>}, {pipeline_mode = #tpu.pipeline_mode<synchronous>, transform_indices = @transform_6, window_bounds = array<i64: 16, 32>}, {pipeline_mode = #tpu.pipeline_mode<synchronous>, transform_indices = @transform_7, window_bounds = array<i64: 8, 32>}, {pipeline_mode = #tpu.pipeline_mode<synchronous>, transform_indices = @transform_8, window_bounds = array<i64: 8, 32>}, {pipeline_mode = #tpu.pipeline_mode<synchronous>, transform_indices = @transform_9, window_bounds = array<i64: 1, 32>}, {pipeline_mode = #tpu.pipeline_mode<synchronous>, transform_indices = @transform_10, window_bounds = array<i64: 32, 8>}, {pipeline_mode = #tpu.pipeline_mode<synchronous>, transform_indices = @transform_11, window_bounds = array<i64: 384, 576>}, {pipeline_mode = #tpu.pipeline_mode<synchronous>, transform_indices = @transform_12, window_bounds = array<i64: 8, 576>}, {pipeline_mode = #tpu.pipeline_mode<synchronous>, transform_indices = @transform_13, window_bounds = array<i64: 576, 288>}, {pipeline_mode = #tpu.pipeline_mode<synchronous>, transform_indices = @transform_14, window_bounds = array<i64: 288, 288>}, {pipeline_mode = #tpu.pipeline_mode<synchronous>, transform_indices = @transform_15, window_bounds = array<i64: 32, 288>}, {pipeline_mode = #tpu.pipeline_mode<synchronous>, transform_indices = @transform_16, window_bounds = array<i64: 288, 288>}, {transform_indices = @transform_17, window_bounds = array<i64: 64, 288>}]} {
    %get3A = arith.constant 0 : index
    %get3A_0 = arith.constant 0 : index
    %get3A_1 = vector.load %arg1[%get3A, %get3A_0] : memref<1920x384xf32, #tpu.memory_space<vmem>>, vector<1920x384xf32>
    %get3A_2 = arith.constant 0 : index
    %get3A_3 = arith.constant 0 : index
    %get3A_4 = vector.load %arg2[%get3A_2, %get3A_3] : memref<64x384xf32, #tpu.memory_space<vmem>>, vector<64x384xf32>
    %get3A_5 = arith.constant 0 : index
    %get3A_6 = arith.constant 0 : index
    %get3A_7 = vector.load %arg5[%get3A_5, %get3A_6] : memref<384x8xf32, #tpu.memory_space<vmem>>, vector<384x8xf32>
    %dot_general3A = arith.constant dense<0.000000e+00> : vector<64x8xf32>
    %dot_general3A_8 = tpu.matmul %get3A_4, %get3A_7, %dot_general3A {dimension_numbers = #tpu.dot_dimension_numbers<[1], [0], [0], [1], [0, 0, 1, 1], [], []>, transpose_lhs_hint = false} : vector<64x384xf32>, vector<384x8xf32>, vector<64x8xf32> -> vector<64x8xf32>
    %get3A_9 = arith.constant 0 : index
    %get3A_10 = arith.constant 0 : index
    %get3A_11 = vector.load %arg6[%get3A_9, %get3A_10] : memref<384x8xf32, #tpu.memory_space<vmem>>, vector<384x8xf32>
    %dot_general3A_12 = arith.constant dense<0.000000e+00> : vector<1920x8xf32>
    %dot_general3A_13 = tpu.matmul %get3A_1, %get3A_11, %dot_general3A_12 {dimension_numbers = #tpu.dot_dimension_numbers<[1], [0], [0], [1], [0, 0, 1, 1], [], []>, transpose_lhs_hint = false} : vector<1920x384xf32>, vector<384x8xf32>, vector<1920x8xf32> -> vector<1920x8xf32>
    %slice3A = vector.extract_strided_slice %get3A_1 {offsets = [0, 0], sizes = [1920, 3], strides = [1, 1]} : vector<1920x384xf32> to vector<1920x3xf32>
    %reshape3A = vector.shape_cast %slice3A : vector<1920x3xf32> to vector<64x30x3xf32>
    %slice3A_14 = vector.extract_strided_slice %get3A_4 {offsets = [0, 0], sizes = [64, 3], strides = [1, 1]} : vector<64x384xf32> to vector<64x3xf32>
    %reshape3A_15 = vector.shape_cast %slice3A_14 : vector<64x3xf32> to vector<64x1x3xf32>
    %sub3A = vector.broadcast %reshape3A_15 : vector<64x1x3xf32> to vector<64x30x3xf32>
    %sub3A_16 = arith.subf %reshape3A, %sub3A : vector<64x30x3xf32>
    %mul3A = arith.mulf %sub3A_16, %sub3A_16 : vector<64x30x3xf32>
    %reduce_sum3A = arith.constant dense<0.000000e+00> : vector<64x30xf32>
    %reduce_sum3A_17 = vector.multi_reduction <add>, %mul3A, %reduce_sum3A [2] : vector<64x30x3xf32> to vector<64x30xf32>
    %broadcast_in_dim3A = vector.shape_cast %reduce_sum3A_17 : vector<64x30xf32> to vector<64x30x1xf32>
    %sqrt3A = math.sqrt %broadcast_in_dim3A : vector<64x30x1xf32>
    %gt3A = arith.constant 1.000000e-03 : f32
    %gt3A_18 = vector.broadcast %gt3A : f32 to vector<64x30x1xf32>
    %gt3A_19 = arith.cmpf ogt, %sqrt3A, %gt3A_18 : vector<64x30x1xf32>
    %reshape3A_20 = vector.shape_cast %sqrt3A : vector<64x30x1xf32> to vector<1920x1xf32>
    %iota3A = tpu.iota {dimensions = array<i32: 1>} : vector<1x16xi32>
    %convert_element_type3A = arith.sitofp %iota3A : vector<1x16xi32> to vector<1x16xf32>
    %mul3A_21 = arith.constant 1.33333337 : f32
    %mul3A_22 = vector.broadcast %mul3A_21 : f32 to vector<1x16xf32>
    %mul3A_23 = arith.mulf %convert_element_type3A, %mul3A_22 : vector<1x16xf32>
    %sub3A_24 = vector.broadcast %reshape3A_20 : vector<1920x1xf32> to vector<1920x16xf32>
    %sub3A_25 = vector.broadcast %mul3A_23 : vector<1x16xf32> to vector<1920x16xf32>
    %sub3A_26 = arith.subf %sub3A_24, %sub3A_25 : vector<1920x16xf32>
    %div3A = arith.constant 1.250000e+00 : f32
    %div3A_27 = vector.broadcast %div3A : f32 to vector<1920x16xf32>
    %div3A_28 = arith.divf %sub3A_26, %div3A_27 : vector<1920x16xf32>
    %integer_pow3A = arith.mulf %div3A_28, %div3A_28 : vector<1920x16xf32>
    %neg3A = arith.constant 0.000000e+00 : f32
    %neg3A_29 = vector.broadcast %neg3A : f32 to vector<1920x16xf32>
    %neg3A_30 = arith.subf %neg3A_29, %integer_pow3A : vector<1920x16xf32>
    %exp3A = math.exp %neg3A_30 : vector<1920x16xf32>
    %iota3A_31 = tpu.iota {dimensions = array<i32: 0>} : vector<64x30x1xi32>
    %reshape3A_32 = vector.shape_cast %iota3A_31 : vector<64x30x1xi32> to vector<1920x1xi32>
    %mul3A_33 = arith.constant 64 : i32
    %mul3A_34 = arith.muli %arg0, %mul3A_33 : i32
    %add3A = vector.broadcast %mul3A_34 : i32 to vector<1920x1xi32>
    %add3A_35 = arith.addi %reshape3A_32, %add3A : vector<1920x1xi32>
    %convert_element_type3A_36 = arith.sitofp %add3A_35 : vector<1920x1xi32> to vector<1920x1xf32>
    %get3A_37 = arith.constant 0 : index
    %get3A_38 = arith.constant 0 : index
    %get3A_39 = vector.load %arg4[%get3A_37, %get3A_38] : memref<1920x1xf32, #tpu.memory_space<vmem>>, vector<1920x1xf32>
    %sub3A_40 = arith.subf %get3A_39, %convert_element_type3A_36 : vector<1920x1xf32>
    %iota3A_41 = tpu.iota {dimensions = array<i32: 1>} : vector<1x8xi32>
    %convert_element_type3A_42 = arith.sitofp %iota3A_41 : vector<1x8xi32> to vector<1x8xf32>
    %mul3A_43 = arith.constant -1.15129256 : f32
    %mul3A_44 = vector.broadcast %mul3A_43 : f32 to vector<1x8xf32>
    %mul3A_45 = arith.mulf %convert_element_type3A_42, %mul3A_44 : vector<1x8xf32>
    %exp3A_46 = math.exp %mul3A_45 : vector<1x8xf32>
    %mul3A_47 = vector.broadcast %sub3A_40 : vector<1920x1xf32> to vector<1920x8xf32>
    %mul3A_48 = vector.broadcast %exp3A_46 : vector<1x8xf32> to vector<1920x8xf32>
    %mul3A_49 = arith.mulf %mul3A_47, %mul3A_48 : vector<1920x8xf32>
    %get3A_50 = arith.constant 0 : index
    %get3A_51 = arith.constant 0 : index
    %get3A_52 = vector.load %arg7[%get3A_50, %get3A_51] : memref<16x32xf32, #tpu.memory_space<vmem>>, vector<16x32xf32>
    %dot_general3A_53 = arith.constant dense<0.000000e+00> : vector<1920x32xf32>
    %dot_general3A_54 = tpu.matmul %exp3A, %get3A_52, %dot_general3A_53 {dimension_numbers = #tpu.dot_dimension_numbers<[1], [0], [0], [1], [0, 0, 1, 1], [], []>, transpose_lhs_hint = false} : vector<1920x16xf32>, vector<16x32xf32>, vector<1920x32xf32> -> vector<1920x32xf32>
    %cos3A = math.cos %mul3A_49 : vector<1920x8xf32>
    %get3A_55 = arith.constant 0 : index
    %get3A_56 = arith.constant 0 : index
    %get3A_57 = vector.load %arg8[%get3A_55, %get3A_56] : memref<8x32xf32, #tpu.memory_space<vmem>>, vector<8x32xf32>
    %dot_general3A_58 = arith.constant dense<0.000000e+00> : vector<1920x32xf32>
    %dot_general3A_59 = tpu.matmul %cos3A, %get3A_57, %dot_general3A_58 {dimension_numbers = #tpu.dot_dimension_numbers<[1], [0], [0], [1], [0, 0, 1, 1], [], []>, transpose_lhs_hint = false} : vector<1920x8xf32>, vector<8x32xf32>, vector<1920x32xf32> -> vector<1920x32xf32>
    %add3A_60 = arith.addf %dot_general3A_54, %dot_general3A_59 : vector<1920x32xf32>
    %sin3A = math.sin %mul3A_49 : vector<1920x8xf32>
    %get3A_61 = arith.constant 0 : index
    %get3A_62 = arith.constant 0 : index
    %get3A_63 = vector.load %arg9[%get3A_61, %get3A_62] : memref<8x32xf32, #tpu.memory_space<vmem>>, vector<8x32xf32>
    %dot_general3A_64 = arith.constant dense<0.000000e+00> : vector<1920x32xf32>
    %dot_general3A_65 = tpu.matmul %sin3A, %get3A_63, %dot_general3A_64 {dimension_numbers = #tpu.dot_dimension_numbers<[1], [0], [0], [1], [0, 0, 1, 1], [], []>, transpose_lhs_hint = false} : vector<1920x8xf32>, vector<8x32xf32>, vector<1920x32xf32> -> vector<1920x32xf32>
    %add3A_66 = arith.addf %add3A_60, %dot_general3A_65 : vector<1920x32xf32>
    %get3A_67 = arith.constant 0 : index
    %get3A_68 = arith.constant 0 : index
    %get3A_69 = vector.load %arg10[%get3A_67, %get3A_68] : memref<1x32xf32, #tpu.memory_space<vmem>>, vector<1x32xf32>
    %add3A_70 = vector.broadcast %get3A_69 : vector<1x32xf32> to vector<1920x32xf32>
    %add3A_71 = arith.addf %add3A_66, %add3A_70 : vector<1920x32xf32>
    %logistic3A = arith.negf %add3A_71 : vector<1920x32xf32>
    %logistic3A_72 = math.exp %logistic3A : vector<1920x32xf32>
    %logistic3A_73 = arith.constant 1.000000e+00 : f32
    %logistic3A_74 = vector.broadcast %logistic3A_73 : f32 to vector<1920x32xf32>
    %logistic3A_75 = arith.addf %logistic3A_74, %logistic3A_72 : vector<1920x32xf32>
    %logistic3A_76 = arith.divf %logistic3A_74, %logistic3A_75 : vector<1920x32xf32>
    %mul3A_77 = arith.mulf %add3A_71, %logistic3A_76 : vector<1920x32xf32>
    %get3A_78 = arith.constant 0 : index
    %get3A_79 = arith.constant 0 : index
    %get3A_80 = vector.load %arg11[%get3A_78, %get3A_79] : memref<32x8xf32, #tpu.memory_space<vmem>>, vector<32x8xf32>
    %dot_general3A_81 = arith.constant dense<0.000000e+00> : vector<1920x8xf32>
    %dot_general3A_82 = tpu.matmul %mul3A_77, %get3A_80, %dot_general3A_81 {dimension_numbers = #tpu.dot_dimension_numbers<[1], [0], [0], [1], [0, 0, 1, 1], [], []>, transpose_lhs_hint = false} : vector<1920x32xf32>, vector<32x8xf32>, vector<1920x8xf32> -> vector<1920x8xf32>
    %add3A_83 = arith.addf %dot_general3A_13, %dot_general3A_82 : vector<1920x8xf32>
    %reshape3A_84 = vector.shape_cast %add3A_83 : vector<1920x8xf32> to vector<64x30x8xf32>
    %reshape3A_85 = vector.shape_cast %dot_general3A_8 : vector<64x8xf32> to vector<64x1x8xf32>
    %add3A_86 = vector.broadcast %reshape3A_85 : vector<64x1x8xf32> to vector<64x30x8xf32>
    %add3A_87 = arith.addf %reshape3A_84, %add3A_86 : vector<64x30x8xf32>
    %ge3A = arith.constant 0.000000e+00 : f32
    %ge3A_88 = vector.broadcast %ge3A : f32 to vector<64x30x8xf32>
    %ge3A_89 = arith.cmpf oge, %add3A_87, %ge3A_88 : vector<64x30x8xf32>
    %mul3A_90 = arith.constant 2.000000e-01 : f32
    %mul3A_91 = vector.broadcast %mul3A_90 : f32 to vector<64x30x8xf32>
    %mul3A_92 = arith.mulf %mul3A_91, %add3A_87 : vector<64x30x8xf32>
    %select_n3A = arith.select %ge3A_89, %add3A_87, %mul3A_92 : vector<64x30x8xi1>, vector<64x30x8xf32>
    %jit3A = arith.constant 0xFF800000 : f32
    %broadcast_in_dim3A_93 = vector.shape_cast %gt3A_19 : vector<64x30x1xi1> to vector<64x30x1xi1>
    %broadcast_in_dim3A_94 = vector.broadcast %broadcast_in_dim3A_93 : vector<64x30x1xi1> to vector<64x30x8xi1>
    %broadcast_in_dim3A_95 = vector.broadcast %jit3A : f32 to vector<64x30x8xf32>
    %select_n3A_96 = arith.select %broadcast_in_dim3A_94, %select_n3A, %broadcast_in_dim3A_95 : vector<64x30x8xi1>, vector<64x30x8xf32>
    %reduce_max3A = arith.constant dense<0xFF800000> : vector<64x8xf32>
    %reduce_max3A_97 = vector.multi_reduction <maximumf>, %select_n3A_96, %reduce_max3A [1] : vector<64x30x8xf32> to vector<64x8xf32>
    %broadcast_in_dim3A_98 = vector.shape_cast %reduce_max3A_97 : vector<64x8xf32> to vector<64x1x8xf32>
    %sub3A_99 = vector.broadcast %broadcast_in_dim3A_98 : vector<64x1x8xf32> to vector<64x30x8xf32>
    %sub3A_100 = arith.subf %select_n3A_96, %sub3A_99 : vector<64x30x8xf32>
    %exp3A_101 = math.exp %sub3A_100 : vector<64x30x8xf32>
    %jit3A_102 = arith.constant 0.000000e+00 : f32
    %broadcast_in_dim3A_103 = vector.shape_cast %gt3A_19 : vector<64x30x1xi1> to vector<64x30x1xi1>
    %broadcast_in_dim3A_104 = vector.broadcast %broadcast_in_dim3A_103 : vector<64x30x1xi1> to vector<64x30x8xi1>
    %broadcast_in_dim3A_105 = vector.broadcast %jit3A_102 : f32 to vector<64x30x8xf32>
    %select_n3A_106 = arith.select %broadcast_in_dim3A_104, %exp3A_101, %broadcast_in_dim3A_105 : vector<64x30x8xi1>, vector<64x30x8xf32>
    %reduce_sum3A_107 = arith.constant dense<0.000000e+00> : vector<64x8xf32>
    %reduce_sum3A_108 = vector.multi_reduction <add>, %select_n3A_106, %reduce_sum3A_107 [1] : vector<64x30x8xf32> to vector<64x8xf32>
    %broadcast_in_dim3A_109 = vector.shape_cast %reduce_sum3A_108 : vector<64x8xf32> to vector<64x1x8xf32>
    %add3A_110 = arith.constant 9.99999971E-10 : f32
    %add3A_111 = vector.broadcast %add3A_110 : f32 to vector<64x1x8xf32>
    %add3A_112 = arith.addf %broadcast_in_dim3A_109, %add3A_111 : vector<64x1x8xf32>
    %div3A_113 = vector.broadcast %add3A_112 : vector<64x1x8xf32> to vector<64x30x8xf32>
    %div3A_114 = arith.divf %select_n3A_106, %div3A_113 : vector<64x30x8xf32>
    %reshape3A_115 = vector.shape_cast %div3A_114 : vector<64x30x8xf32> to vector<1920x8xf32>
    %get3A_116 = arith.constant 0 : index
    %get3A_117 = arith.constant 0 : index
    %get3A_118 = vector.load %arg13[%get3A_116, %get3A_117] : memref<8x576xf32, #tpu.memory_space<vmem>>, vector<8x576xf32>
    %dot_general3A_119 = arith.constant dense<0.000000e+00> : vector<1920x576xf32>
    %dot_general3A_120 = tpu.matmul %reshape3A_115, %get3A_118, %dot_general3A_119 {dimension_numbers = #tpu.dot_dimension_numbers<[1], [0], [0], [1], [0, 0, 1, 1], [], []>, transpose_lhs_hint = false} : vector<1920x8xf32>, vector<8x576xf32>, vector<1920x576xf32> -> vector<1920x576xf32>
    %get3A_121 = arith.constant 0 : index
    %get3A_122 = arith.constant 0 : index
    %get3A_123 = vector.load %arg12[%get3A_121, %get3A_122] : memref<384x576xf32, #tpu.memory_space<vmem>>, vector<384x576xf32>
    %dot_general3A_124 = arith.constant dense<0.000000e+00> : vector<1920x576xf32>
    %dot_general3A_125 = tpu.matmul %get3A_1, %get3A_123, %dot_general3A_124 {dimension_numbers = #tpu.dot_dimension_numbers<[1], [0], [0], [1], [0, 0, 1, 1], [], []>, transpose_lhs_hint = false} : vector<1920x384xf32>, vector<384x576xf32>, vector<1920x576xf32> -> vector<1920x576xf32>
    %mul3A_126 = arith.mulf %dot_general3A_125, %dot_general3A_120 : vector<1920x576xf32>
    %reshape3A_127 = vector.shape_cast %mul3A_126 : vector<1920x576xf32> to vector<64x30x576xf32>
    %reduce_sum3A_128 = arith.constant dense<0.000000e+00> : vector<64x576xf32>
    %reduce_sum3A_129 = vector.multi_reduction <add>, %reshape3A_127, %reduce_sum3A_128 [1] : vector<64x30x576xf32> to vector<64x576xf32>
    %get3A_130 = arith.constant 0 : index
    %get3A_131 = arith.constant 0 : index
    %get3A_132 = vector.load %arg14[%get3A_130, %get3A_131] : memref<576x288xf32, #tpu.memory_space<vmem>>, vector<576x288xf32>
    %dot_general3A_133 = arith.constant dense<0.000000e+00> : vector<64x288xf32>
    %dot_general3A_134 = tpu.matmul %reduce_sum3A_129, %get3A_132, %dot_general3A_133 {dimension_numbers = #tpu.dot_dimension_numbers<[1], [0], [0], [1], [0, 0, 1, 1], [], []>, transpose_lhs_hint = false} : vector<64x576xf32>, vector<576x288xf32>, vector<64x288xf32> -> vector<64x288xf32>
    %get3A_135 = arith.constant 0 : index
    %get3A_136 = arith.constant 0 : index
    %get3A_137 = vector.load %arg3[%get3A_135, %get3A_136] : memref<64x288xf32, #tpu.memory_space<vmem>>, vector<64x288xf32>
    %add3A_138 = arith.addf %get3A_137, %dot_general3A_134 : vector<64x288xf32>
    %get3A_139 = arith.constant 0 : index
    %get3A_140 = arith.constant 0 : index
    %get3A_141 = vector.load %arg15[%get3A_139, %get3A_140] : memref<288x288xf32, #tpu.memory_space<vmem>>, vector<288x288xf32>
    %dot_general3A_142 = arith.constant dense<0.000000e+00> : vector<64x288xf32>
    %dot_general3A_143 = tpu.matmul %add3A_138, %get3A_141, %dot_general3A_142 {dimension_numbers = #tpu.dot_dimension_numbers<[1], [0], [0], [1], [0, 0, 1, 1], [], []>, transpose_lhs_hint = false} : vector<64x288xf32>, vector<288x288xf32>, vector<64x288xf32> -> vector<64x288xf32>
    %slice3A_144 = vector.extract_strided_slice %dot_general3A_143 {offsets = [0, 0], sizes = [64, 32], strides = [1, 1]} : vector<64x288xf32> to vector<64x32xf32>
    %logistic3A_145 = arith.negf %slice3A_144 : vector<64x32xf32>
    %logistic3A_146 = math.exp %logistic3A_145 : vector<64x32xf32>
    %logistic3A_147 = arith.constant 1.000000e+00 : f32
    %logistic3A_148 = vector.broadcast %logistic3A_147 : f32 to vector<64x32xf32>
    %logistic3A_149 = arith.addf %logistic3A_148, %logistic3A_146 : vector<64x32xf32>
    %logistic3A_150 = arith.divf %logistic3A_148, %logistic3A_149 : vector<64x32xf32>
    %get3A_151 = arith.constant 0 : index
    %get3A_152 = arith.constant 0 : index
    %get3A_153 = vector.load %arg16[%get3A_151, %get3A_152] : memref<32x288xf32, #tpu.memory_space<vmem>>, vector<32x288xf32>
    %dot_general3A_154 = arith.constant dense<0.000000e+00> : vector<64x288xf32>
    %dot_general3A_155 = tpu.matmul %logistic3A_150, %get3A_153, %dot_general3A_154 {dimension_numbers = #tpu.dot_dimension_numbers<[1], [0], [0], [1], [0, 0, 1, 1], [], []>, transpose_lhs_hint = false} : vector<64x32xf32>, vector<32x288xf32>, vector<64x288xf32> -> vector<64x288xf32>
    %mul3A_156 = arith.mulf %dot_general3A_143, %dot_general3A_155 : vector<64x288xf32>
    %get3A_157 = arith.constant 0 : index
    %get3A_158 = arith.constant 0 : index
    %get3A_159 = vector.load %arg17[%get3A_157, %get3A_158] : memref<288x288xf32, #tpu.memory_space<vmem>>, vector<288x288xf32>
    %dot_general3A_160 = arith.constant dense<0.000000e+00> : vector<64x288xf32>
    %dot_general3A_161 = tpu.matmul %mul3A_156, %get3A_159, %dot_general3A_160 {dimension_numbers = #tpu.dot_dimension_numbers<[1], [0], [0], [1], [0, 0, 1, 1], [], []>, transpose_lhs_hint = false} : vector<64x288xf32>, vector<288x288xf32>, vector<64x288xf32> -> vector<64x288xf32>
    %add3A_162 = arith.addf %add3A_138, %dot_general3A_161 : vector<64x288xf32>
    %swap3A = arith.constant 0 : index
    %swap3A_163 = arith.constant 0 : index
    %swap3A_164 = vector.load %arg18[%swap3A, %swap3A_163] : memref<64x288xf32, #tpu.memory_space<vmem>>, vector<64x288xf32>
    tpu.vector_store %arg18[%swap3A, %swap3A_163], %add3A_162 {strides = array<i32>} : memref<64x288xf32, #tpu.memory_space<vmem>>, vector<64x288xf32>,
    return
  }
  func.func @transform_0(%arg0: i32) -> (i32, i32) {
    %c0_i32 = arith.constant 0 : i32
    %c0_i32_0 = arith.constant 0 : i32
    return %arg0, %c0_i32 : i32, i32
  }
  func.func @transform_1(%arg0: i32) -> (i32, i32) {
    %c0_i32 = arith.constant 0 : i32
    %c0_i32_0 = arith.constant 0 : i32
    return %arg0, %c0_i32 : i32, i32
  }
  func.func @transform_2(%arg0: i32) -> (i32, i32) {
    %c0_i32 = arith.constant 0 : i32
    %c0_i32_0 = arith.constant 0 : i32
    return %arg0, %c0_i32 : i32, i32
  }
  func.func @transform_3(%arg0: i32) -> (i32, i32) {
    %c0_i32 = arith.constant 0 : i32
    %c0_i32_0 = arith.constant 0 : i32
    return %arg0, %c0_i32 : i32, i32
  }
  func.func @transform_4(%arg0: i32) -> (i32, i32) {
    %c0_i32 = arith.constant 0 : i32
    %c0_i32_0 = arith.constant 0 : i32
    %c0_i32_1 = arith.constant 0 : i32
    return %c0_i32, %c0_i32_0 : i32, i32
  }
  func.func @transform_5(%arg0: i32) -> (i32, i32) {
    %c0_i32 = arith.constant 0 : i32
    %c0_i32_0 = arith.constant 0 : i32
    %c0_i32_1 = arith.constant 0 : i32
    return %c0_i32, %c0_i32_0 : i32, i32
  }
  func.func @transform_6(%arg0: i32) -> (i32, i32) {
    %c0_i32 = arith.constant 0 : i32
    %c0_i32_0 = arith.constant 0 : i32
    %c0_i32_1 = arith.constant 0 : i32
    return %c0_i32, %c0_i32_0 : i32, i32
  }
  func.func @transform_7(%arg0: i32) -> (i32, i32) {
    %c0_i32 = arith.constant 0 : i32
    %c0_i32_0 = arith.constant 0 : i32
    %c0_i32_1 = arith.constant 0 : i32
    return %c0_i32, %c0_i32_0 : i32, i32
  }
  func.func @transform_8(%arg0: i32) -> (i32, i32) {
    %c0_i32 = arith.constant 0 : i32
    %c0_i32_0 = arith.constant 0 : i32
    %c0_i32_1 = arith.constant 0 : i32
    return %c0_i32, %c0_i32_0 : i32, i32
  }
  func.func @transform_9(%arg0: i32) -> (i32, i32) {
    %c0_i32 = arith.constant 0 : i32
    %c0_i32_0 = arith.constant 0 : i32
    %c0_i32_1 = arith.constant 0 : i32
    return %c0_i32, %c0_i32_0 : i32, i32
  }
  func.func @transform_10(%arg0: i32) -> (i32, i32) {
    %c0_i32 = arith.constant 0 : i32
    %c0_i32_0 = arith.constant 0 : i32
    %c0_i32_1 = arith.constant 0 : i32
    return %c0_i32, %c0_i32_0 : i32, i32
  }
  func.func @transform_11(%arg0: i32) -> (i32, i32) {
    %c0_i32 = arith.constant 0 : i32
    %c0_i32_0 = arith.constant 0 : i32
    %c0_i32_1 = arith.constant 0 : i32
    return %c0_i32, %c0_i32_0 : i32, i32
  }
  func.func @transform_12(%arg0: i32) -> (i32, i32) {
    %c0_i32 = arith.constant 0 : i32
    %c0_i32_0 = arith.constant 0 : i32
    %c0_i32_1 = arith.constant 0 : i32
    return %c0_i32, %c0_i32_0 : i32, i32
  }
  func.func @transform_13(%arg0: i32) -> (i32, i32) {
    %c0_i32 = arith.constant 0 : i32
    %c0_i32_0 = arith.constant 0 : i32
    %c0_i32_1 = arith.constant 0 : i32
    return %c0_i32, %c0_i32_0 : i32, i32
  }
  func.func @transform_14(%arg0: i32) -> (i32, i32) {
    %c0_i32 = arith.constant 0 : i32
    %c0_i32_0 = arith.constant 0 : i32
    %c0_i32_1 = arith.constant 0 : i32
    return %c0_i32, %c0_i32_0 : i32, i32
  }
  func.func @transform_15(%arg0: i32) -> (i32, i32) {
    %c0_i32 = arith.constant 0 : i32
    %c0_i32_0 = arith.constant 0 : i32
    %c0_i32_1 = arith.constant 0 : i32
    return %c0_i32, %c0_i32_0 : i32, i32
  }
  func.func @transform_16(%arg0: i32) -> (i32, i32) {
    %c0_i32 = arith.constant 0 : i32
    %c0_i32_0 = arith.constant 0 : i32
    %c0_i32_1 = arith.constant 0 : i32
    return %c0_i32, %c0_i32_0 : i32, i32
  }
  func.func @transform_17(%arg0: i32) -> (i32, i32) {
    %c0_i32 = arith.constant 0 : i32
    %c0_i32_0 = arith.constant 0 : i32
    return %arg0, %c0_i32 : i32, i32
  }
}

</mosaic_0001>

<sc_bundles>
// kernel: kernel.5.cloned.1.call-start
scs
__scs_entry_jumppad:
0x0: {  	(pc) =	sbr.rel $0x88, $3  }
0x1: {  	(tag) =	ssettag $0x0;
	lr =	simm.s32 $0x1  }
0x2: {  	[smem:$0x3F94] =	sst lr;
	_ =	strace $0xD0000000  }
0x3: {  	_ = 	snop  }
0x4: {  	_ = 	snop  }
0x5: {  	_ = 	snop  }
0x6: {  	_ = 	snop  }
0x7: {  	_ = 	snop  }
__scs_overlays_trampoline_lowered:
0x8: {  	[smem:$0x3FA3] =	sst s0  }
0x9: {  	[smem:$0x3FA4] =	sst s1  }
0xa: {  	[smem:$0x3FA5] =	sst s2  }
0xb: {  	[smem:$0x3FA6] =	sst s3  }
0xc: {  	[smem:$0x3FA7] =	sst s4  }
0xd: {  	[smem:$0x3FA8] =	sst s5  }
0xe: {  	[smem:$0x3FA9] =	sst s6  }
0xf: {  	[smem:$0x3FAA] =	sst s7  }
0x10: {  	[smem:$0x3FAB] =	sst s8  }
0x11: {  	[smem:$0x3FAC] =	sst s9;
	s0 =	simm.s32 @!p0 $0x0  }
0x12: {  	s1 =	sld [smem:$0x3F92];
	s0 =	simm.s32 @p0 $0x1  }
0x13: {  	[smem:$0x3FAD] =	sst s0;
	s0 =	simm.s32 @!p1 $0x0  }
0x14: {  	s2 =	sld [smem:$0x3F91];
	s0 =	simm.s32 @p1 $0x1  }
0x15: {  	[smem:$0x3FAE] =	sst s0;
	s0 =	simm.s32 @!p2 $0x0  }
0x16: {  	s3 =	sld [smem:$0x3FDB];
	s0 =	simm.s32 @p2 $0x1  }
0x17: {  	s4 =	simm.s32 $0x1BF5;
	[smem:$0x3FB0] =	sst s0  }
0x18: {  	s0 =	sld [smem:$0x3F93];
	_ =	swait.ge [sflag:s4], $0x0  }
0x19: {  	s7 =	sld [smem:$0x3F94]  }
0x1a: {  	s8 =	sadd.s32 $0xFFFFE003, lr  }
0x1b: {  	s9 =	sadd.s32 $0xFFFFFEF7, lr;
	s5 =	simm.s32 $0xFFFFFFFF;
	p2 =	slt.u32 s8, $0xFFFFF086  }
0x1c: {  	p1 =	slt.u32 s9, $0xF7A;
	s5 =	simm.s32 @!p2 $0x0  }
0x1d: {  	s5 =	simm.s32 @p1 $0x1;
	p0 =	seq.s32 s7, s2  }
0x1e: {  	s7 =	smul.u32 @!p0 $0xF7A, s2;
	p2 =	seq.s32 @!p0 s5, $0x0  }
0x1f: {  	s9 =	smul.u32 $0xF7A, s1;
	s8 =	simm.s32 @!p0 $0x1BF5;
	p2 =	por !p2, p0  }
0x20: {  	[sflag:s8] =	ssyncset.s32 @!p0 $0xFFFFF086;
	s6 =	sadd.s32 @!p0 s3, s7;
	s7 =	simm.s32 @!p0 $0x108  }
0x21: {  	s3 =	sadd.s32 s3, s9;
	s6 =	sadd.s32 @!p0 $0x88, s6;
	s7 =	simm.s32 @p2 $0x1082  }
0x22: {  	[simem:s7], [sflag:s8] =	dma.local @!p0 [hbm:s6], $0xF7A  }
0x23: {  	s9 =	sor.u32 $0xD0000000, s2;
	s6 =	simm.s32 $0x108;
	_ =	swait.ge @!p0 [sflag:s8], $0x0  }
0x24: {  	s3 =	sadd.s32 $0x88, s3;
	s6 =	simm.s32 @!p1 $0x1082;
	[sflag:s4] =	ssyncset.s32 $0xFFFFF086  }
0x25: {  	[simem:s6], [sflag:s4] =	dma.local [hbm:s3], $0xF7A  }
0x26: {  	[smem:$0x3F94] =	sst s1;
	(tag) =	ssettag s2;
	_ =	strace s9  }
0x27: {  	s1 =	sld [smem:$0x3FA4]  }
0x28: {  	s2 =	sld [smem:$0x3FA5]  }
0x29: {  	s4 =	sld [smem:$0x3FA7]  }
0x2a: {  	p0 =	seq.s32 s5, $0x0;
	s5 =	sld [smem:$0x3FA8]  }
0x2b: {  	s6 =	sld [smem:$0x3FA9]  }
0x2c: {  	s7 =	sld [smem:$0x3FAA]  }
0x2d: {  	s3 =	simm.s32 $0x108;
	s8 =	sld [smem:$0x3FAB]  }
0x2e: {  	s3 =	simm.s32 @!p0 $0x1082;
	s9 =	sld [smem:$0x3FAC]  }
0x2f: {  	lr =	sadd.s32 s0, s3;
	s0 =	sld [smem:$0x3FA3]  }
0x30: {  	s3 =	sld [smem:$0x3FA6]  }
0x31: {  	[smem:$0x3FAF] =	sst s10  }
0x32: {  	s10 =	sld [smem:$0x3FAD];
	_ =	sdelay $0x3  }
0x33: {  	p0 =	seq.s32 s10, $0x1;
	s10 =	sld [smem:$0x3FAF];
	_ =	sdelay $0x3  }
0x34: {  	[smem:$0x3FAF] =	sst s10  }
0x35: {  	s10 =	sld [smem:$0x3FAE];
	_ =	sdelay $0x3  }
0x36: {  	p1 =	seq.s32 s10, $0x1;
	s10 =	sld [smem:$0x3FAF];
	_ =	sdelay $0x3  }
0x37: {  	[smem:$0x3FAF] =	sst s10  }
0x38: {  	s10 =	sld [smem:$0x3FB0]  }
0x39: {  	_ = 	snop;
	(pc) =	sbr.ind lr, $3  }
0x3a: {  	_ = 	snop  }
0x3b: {  	_ = 	snop  }
0x3c: {  	p2 =	seq.s32 s10, $0x1;
	s10 =	sld [smem:$0x3FAF]  }
0x3d: {  	_ =	shalt  }
0x3e: {  	_ =	shalt  }
0x3f: {  	_ =	shalt  }
0x40: {  	_ =	shalt  }
0x41: {  	_ =	shalt  }
0x42: {  	_ =	shalt  }
0x43: {  	_ =	shalt  }
0x44: {  	_ =	shalt  }
0x45: {  	_ =	shalt  }
0x46: {  	_ =	shalt  }
0x47: {  	_ =	shalt  }
0x48: {  	_ =	shalt  }
0x49: {  	_ =	shalt  }
0x4a: {  	_ =	shalt  }
0x4b: {  	_ =	shalt  }
0x4c: {  	_ =	shalt  }
0x4d: {  	_ =	shalt  }
0x4e: {  	_ =	shalt  }
0x4f: {  	_ =	shalt  }
0x50: {  	_ =	shalt  }
0x51: {  	_ =	shalt  }
0x52: {  	_ =	shalt  }
0x53: {  	_ =	shalt  }
0x54: {  	_ =	shalt  }
0x55: {  	_ =	shalt  }
0x56: {  	_ =	shalt  }
0x57: {  	_ =	shalt  }
0x58: {  	_ =	shalt  }
0x59: {  	_ =	shalt  }
0x5a: {  	_ =	shalt  }
0x5b: {  	_ =	shalt  }
0x5c: {  	_ =	shalt  }
0x5d: {  	_ =	shalt  }
0x5e: {  	_ =	shalt  }
0x5f: {  	_ =	shalt  }
0x60: {  	_ =	shalt  }
0x61: {  	_ =	shalt  }
0x62: {  	_ =	shalt  }
0x63: {  	_ =	shalt  }
0x64: {  	_ =	shalt  }
0x65: {  	_ =	shalt  }
0x66: {  	_ =	shalt  }
0x67: {  	_ =	shalt  }
0x68: {  	_ =	shalt  }
0x69: {  	_ =	shalt  }
0x6a: {  	_ =	shalt  }
0x6b: {  	_ =	shalt  }
0x6c: {  	_ =	shalt  }
0x6d: {  	_ =	shalt  }
0x6e: {  	_ =	shalt  }
0x6f: {  	_ =	shalt  }
0x70: {  	_ =	shalt  }
0x71: {  	_ =	shalt  }
0x72: {  	_ =	shalt  }
0x73: {  	_ =	shalt  }
0x74: {  	_ =	shalt  }
0x75: {  	_ =	shalt  }
0x76: {  	_ =	shalt  }
0x77: {  	_ =	shalt  }
0x78: {  	_ =	shalt  }
0x79: {  	_ =	shalt  }
0x7a: {  	_ =	shalt  }
0x7b: {  	_ =	shalt  }
0x7c: {  	_ =	shalt  }
0x7d: {  	_ =	shalt  }
0x7e: {  	_ =	shalt  }
0x7f: {  	_ =	shalt  }
0x80: {  	_ =	shalt  }
0x81: {  	_ =	shalt  }
0x82: {  	_ =	shalt  }
0x83: {  	_ =	shalt  }
0x84: {  	_ =	shalt  }
0x85: {  	_ =	shalt  }
0x86: {  	_ =	shalt  }
0x87: {  	_ =	shalt  }
.Lfunc_end0:
.L_simem_size_0:
called_computation_lowered:
.L_overlay_start_0:
0x88: {  	s2 =	sld [smem:$0x3FD9]  }
0x89: {  	s3 =	sld [smem:$0x3FFE];
	_ =	sdelay $0x1  }
0x8a: {  	s1 =	srdreg.scid  }
0x8b: {  	s0 =	sand.u32 $0x1, s1  }
0x8c: {  	s16 =	sshll.u32 s0, $0xA;
	s2 =	sadd.s32 s3, s2  }
0x8d: {  	s2 =	sadd.s32 s2, s16  }
0x8e: {  	[smem:$0x3FBB] =	sst s2  }
0x8f: {  	_ = 	snop  }
0x90: {  	(tm) =	ssettm $0x1  }
0x91: {  	s17 =	sld [smem:$0x3FFB];
	_ =	sdelay $0x3  }
0x92: {  	_ =	strace s17  }
0x93: {  	s2 =	sld [smem:$0x3FFC];
	_ =	sdelay $0x3  }
0x94: {  	_ =	strace s2  }
0x95: {  	s2 =	sld [smem:$0x3FFD];
	_ =	sdelay $0x3  }
0x96: {  	_ =	strace s2  }
0x97: {  	_ =	strace $0x8FFFFFFF  }
0x98: {  	s18 =	sld [smem:$0x3FDB];
	_ =	sdelay $0x1  }
0x99: {  	s19 =	simm.s32 $_scs_section_size  }
0x9a: {  	s4 =	simm.s32 $_size__tile_overlayer_lowered;
	s5 =	simm.s32 $_tile_overlayer_lowered  }
0x9b: {  	s22 =	simm.s32 $0x1BFF;
	s21 =	sshll.u32 s5, $0x1;
	s2 =	sadd.s32 s19, s18  }
0x9c: {  	s6 =	simm.s32 $0x0;
	s20 =	sshll.u32 s4, $0x1;
	s4 =	sadd.s32 s21, s2  }
0x9d: {  	[timem:s6], [sflag:s22] =	dma.local [hbm:s4], s20  }
0x9e: {  	_ =	swait.ge [sflag:s22], s20  }
0x9f: {  	s3 =	ssub.s32 $0x0, s20;
	[sflag:s22] =	ssyncset.done $0x0  }
0xa0: {  	[sflag:s22] =	ssyncadd.s32 s3;
	_ =	sdelay $0x1  }
0xa1: {  	s23 =	simm.s32 $0x1B8B  }
0xa2: {  	_ =	swait.ge [sflag:s23], $0x1  }
0xa3: {  	[sflag:s23] =	ssyncset.done $0x0  }
0xa4: {  	s25 =	simm.s32 $0x1B8E;
	s24 =	sld [smem:$0x3FFE];
	[sflag:s23] =	ssyncadd.s32 $0xFFFFFFFF  }
0xa5: {  	s26 =	simm.s32 $execute0_lowered;
	[smem:$0x3FD2] =	sst s25  }
0xa6: {  	s4 =	sshll.u32 s26, $0x1;
	_ =	strace $0x80000046;
	[dreg:$0x1] =	wrdreg $0xFFFFFFFF  }
0xa7: {  	s28 =	simm.s32 $_size_execute0_lowered;
	s2 =	sadd.s32 s2, s4;
	[dreg:$0x0] =	wrdreg $0x0  }
0xa8: {  	s4 =	sshll.u32 s28, $0x1;
	[dreg:$0x2] =	wrdreg s2  }
0xa9: {  	[dreg:$0x3] =	wrdreg s4  }
0xaa: {  	[dreg:$0x4] =	wrdreg $0xC0  }
0xab: {  	_ =	task [dreg:s6], $0x5FFFF  }
0xac: {  	[dreg:$0x1] =	wrdreg $0xFFFFFFFF  }
0xad: {  	[dreg:$0x0] =	wrdreg $0x60  }
0xae: {  	[dreg:$0x2] =	wrdreg s24  }
0xaf: {  	[dreg:$0x3] =	wrdreg $0x9  }
0xb0: {  	_ =	task.clear_ibuf [dreg:s6], $0x4FFFF;
	_ =	strace $0x90000046  }
0xb1: {  	s29 =	simm.s32 $0x9;
	_ =	strace $0x80000048  }
0xb2: {  	_ =	swait.ge [sflag:s29], $0x1  }
0xb3: {  	[sflag:s29] =	ssyncadd.s32 $0xFFFFFFFF  }
0xb4: {  	_ =	strace $0x90000048  }
0xb5: {  	_ =	sfence  }
0xb6: {  	s30 =	sld [smem:$0x0];
	_ =	sdelay $0x2  }
0xb7: {  	s31 =	sshll.u32 s1, $0xD;
	s1 =	sshrl.u32 s1, $0x2  }
0xb8: {  	s3 =	sand.u32 $0x4000, s31;
	s1 =	sadd.s32 s1, s30  }
0xb9: {  	s0 =	sor.u32 s3, s0;
	s1 =	sshll.u32 s1, $0x11  }
0xba: {  	s0 =	sor.u32 s1, s0  }
0xbb: {  	s0 =	sadd.s32 $0x8F2B, s0  }
0xbc: {  	[sflag:s0] =	ssyncadd.remote.s32 $0x1  }
0xbd: {  	_ =	sfence.sel $0xFFFF  }
0xbe: {  	[dreg:$0x0] =	wrdreg $0xFFFFFFFF;
	(pc) =	sbr.abs _section_cstart, $3  }
0xbf: {  	[dreg:$0x1] =	wrdreg $0xFFFFFFFF  }
0xc0: {  	_ =	task.clear_ibuf [dreg:s6], $0x2FFFF;
	_ =	strace $0x9FFFFFFF  }
0xc1: {  	(tm) =	ssettm $0x7FFFFFFF  }
tec
execute0_lowered:
.L_overlay_start_1:
0x0: {  	(tag) =	ssettag $0x1  }
0x1: {  	s0 =	srdreg.scid;
	s2 =	stileid.u32  }
0x2: {  	s1 =	sand.u32 $0x1, s0;
	s2 =	smul.u32 $0x4B00, s2  }
0x3: {  	s3 =	smul.u32 $0x2580, s1;
	_ =	sdelay $0x1  }
0x4: {  	s0 =	rddreg [dreg:$0x0];
	s3 =	sadd.s32 s3, s2;
	s2 =	simm.s32 $0x0  }
0x5: {  	s10 =	simm.s32 $0x980;
	[smem:$0x7FF] =	sst s2  }
0x6: {  	s11 =	simm.s32 $0xD80;
	_ =	strace $0x80000047;
	[dreg:$0x3] =	wrdreg s10  }
0x7: {  	s12 =	simm.s32 $0x1580;
	[dreg:$0x4] =	wrdreg s11  }
0x8: {  	s13 =	simm.s32 $0x1980;
	[dreg:$0x5] =	wrdreg s12  }
0x9: {  	s14 =	simm.s32 $0x2180;
	[dreg:$0x6] =	wrdreg s13  }
0xa: {  	s15 =	simm.s32 $0x2580;
	[dreg:$0x7] =	wrdreg s14  }
0xb: {  	s16 =	simm.s32 $0x2D80;
	[dreg:$0x8] =	wrdreg s15  }
0xc: {  	s17 =	simm.s32 $0x3180;
	[dreg:$0x9] =	wrdreg s16  }
0xd: {  	s18 =	simm.s32 $0x3980;
	[dreg:$0xa] =	wrdreg s17  }
0xe: {  	s19 =	simm.s32 $0x3D80;
	[dreg:$0xb] =	wrdreg s18  }
0xf: {  	s20 =	simm.s32 $0x4580;
	[dreg:$0xc] =	wrdreg s19  }
0x10: {  	s21 =	simm.s32 $0x4980;
	[dreg:$0xd] =	wrdreg s20  }
0x11: {  	s22 =	simm.s32 $0x5180;
	[dreg:$0xe] =	wrdreg s21  }
0x12: {  	s23 =	simm.s32 $0x5580;
	[dreg:$0xf] =	wrdreg s22  }
0x13: {  	s24 =	simm.s32 $0x5D80;
	[dreg:$0x10] =	wrdreg s23  }
0x14: {  	s25 =	simm.s32 $0x6180;
	[dreg:$0x11] =	wrdreg s24  }
0x15: {  	s26 =	simm.s32 $0x6980;
	[dreg:$0x12] =	wrdreg s25  }
0x16: {  	s5 =	simm.s32 $0x6D80;
	[dreg:$0x13] =	wrdreg s26  }
0x17: {  	s6 =	simm.s32 $0x7580;
	[dreg:$0x14] =	wrdreg s5  }
0x18: {  	s7 =	simm.s32 $0x7980;
	[dreg:$0x15] =	wrdreg s6  }
0x19: {  	s8 =	simm.s32 $0x8180;
	[dreg:$0x16] =	wrdreg s7  }
0x1a: {  	s9 =	simm.s32 $0x8580;
	[dreg:$0x17] =	wrdreg s8  }
0x1b: {  	[dreg:$0x18] =	wrdreg s9;
	s10 =	simm.s32 $0x8D80  }
0x1c: {  	s11 =	simm.s32 $0x9180;
	[dreg:$0x19] =	wrdreg s10  }
0x1d: {  	s12 =	simm.s32 $0x9980;
	[dreg:$0x1a] =	wrdreg s11  }
0x1e: {  	s13 =	simm.s32 $0x9D80;
	[dreg:$0x1b] =	wrdreg s12  }
0x1f: {  	s14 =	simm.s32 $0xA580;
	[dreg:$0x1c] =	wrdreg s13  }
0x20: {  	s15 =	simm.s32 $0xA980;
	[dreg:$0x1d] =	wrdreg s14  }
0x21: {  	s16 =	simm.s32 $0xB180;
	[dreg:$0x1e] =	wrdreg s15  }
0x22: {  	s17 =	simm.s32 $0xB580;
	[dreg:$0x1f] =	wrdreg s16  }
0x23: {  	s18 =	simm.s32 $0xBD80;
	[smem:$0x7DE] =	sst s17  }
0x24: {  	s19 =	simm.s32 $0xC180;
	[smem:$0x7DF] =	sst s18  }
0x25: {  	s20 =	simm.s32 $0xC980;
	[smem:$0x7E0] =	sst s19  }
0x26: {  	s21 =	simm.s32 $0xCD80;
	[smem:$0x7E1] =	sst s20  }
0x27: {  	s22 =	simm.s32 $0xD580;
	[smem:$0x7E2] =	sst s21  }
0x28: {  	s23 =	simm.s32 $0xD980;
	[smem:$0x7E3] =	sst s22  }
0x29: {  	s24 =	simm.s32 $0xE180;
	[smem:$0x7E4] =	sst s23  }
0x2a: {  	s25 =	simm.s32 $0xE580;
	[smem:$0x7E5] =	sst s24  }
0x2b: {  	s26 =	simm.s32 $0xED80;
	[smem:$0x7E6] =	sst s25  }
0x2c: {  	s5 =	simm.s32 $0xF180;
	[smem:$0x7E7] =	sst s26  }
0x2d: {  	s6 =	simm.s32 $0xF980;
	[smem:$0x7E8] =	sst s5  }
0x2e: {  	s7 =	simm.s32 $0xFD80;
	[smem:$0x7E9] =	sst s6  }
0x2f: {  	s3 =	sshrl.u32 s3, $0x3;
	s8 =	simm.s32 $0x10580;
	[smem:$0x7EA] =	sst s7  }
0x30: {  	s4 =	sadd.s32 s3, s0;
	s9 =	simm.s32 $0x10980;
	[smem:$0x7EB] =	sst s8  }
0x31: {  	s4 =	sadd.s32 $0x7B000, s4;
	[smem:$0x7EC] =	sst s9  }
0x32: {  	s10 =	simm.s32 $0x11180;
	[dreg:$0x2] =	wrdreg s4  }
0x33: {  	s11 =	simm.s32 $0x11580;
	[smem:$0x7ED] =	sst s10  }
0x34: {  	s12 =	simm.s32 $0x11D80;
	[smem:$0x7EE] =	sst s11  }
0x35: {  	s28 =	simm.s32 $0x1D580;
	s13 =	simm.s32 $0x12180;
	[smem:$0x7EF] =	sst s12  }
0x36: {  	s29 =	simm.s32 $0x1DD80;
	s14 =	simm.s32 $0x12980;
	[smem:$0x7F0] =	sst s13  }
0x37: {  	s30 =	simm.s32 $0x1;
	s15 =	simm.s32 $0x12D80;
	[smem:$0x7F1] =	sst s14  }
0x38: {  	s31 =	simm.s32 $0x0;
	s16 =	simm.s32 $0x13580;
	[smem:$0x7F2] =	sst s15  }
0x39: {  	s1 =	ssub.s32 $0x2, s1;
	s17 =	simm.s32 $0x13980;
	[smem:$0x7F3] =	sst s16  }
0x3a: {  	s5 =	smul.u32 $0x180, s3;
	s18 =	simm.s32 $0x14180;
	[smem:$0x7F4] =	sst s17  }
0x3b: {  	s3 =	sadd.s32 $0x3000, s0;
	s20 =	simm.s32 $0x14580;
	[smem:$0x7F5] =	sst s18  }
0x3c: {  	s19 =	sshrl.u32 s1, $0x1;
	s21 =	simm.s32 $0x14D80;
	[smem:$0x7F6] =	sst s20  }
0x3d: {  	s22 =	simm.s32 $0x15180;
	s23 =	simm.s32 $0x15980;
	[smem:$0x7F7] =	sst s21  }
0x3e: {  	s25 =	simm.s32 $0x15D80;
	s7 =	simm.s32 $0x2;
	[smem:$0x7F9] =	sst s22  }
0x3f: {  	s26 =	simm.s32 $0x16580;
	s8 =	simm.s32 $0x180;
	[smem:$0x7FB] =	sst s23  }
0x40: {  	s9 =	simm.s32 $0x16980;
	s1 =	ssub.s32 s1, s19;
	[smem:$0x7FC] =	sst s25  }
0x41: {  	s4 =	sadd.s32 $0x3100, s0;
	[smem:$0x7FD] =	sst s26;
	s10 =	simm.s32 $0x17180  }
0x42: {  	s11 =	simm.s32 $0x17580;
	s12 =	simm.s32 $0x17D80;
	s13 =	simm.s32 $0x18180  }
0x43: {  	s14 =	simm.s32 $0x18980;
	s15 =	simm.s32 $0x18D80;
	s16 =	simm.s32 $0x19580  }
0x44: {  	s17 =	simm.s32 $0x19980;
	s18 =	simm.s32 $0x1A180;
	s19 =	simm.s32 $0x1A580  }
0x45: {  	s20 =	simm.s32 $0x1AD80;
	s21 =	simm.s32 $0x1B180;
	s22 =	simm.s32 $0x1B980  }
0x46: {  	v2 =	vlaneseq.u32;
	s23 =	simm.s32 $0x1BD80;
	s6 =	sadd.s32 s5, s0;
	s1 =	smax.u32 s1, $0x1  }
0x47: {  	vm0 =	vmmov $0xffff;
	vm1 =	vmmov $0xff;
	v1 =	vshrl.u32 v2, $0x3;
	s25 =	simm.s32 $0x1C980;
	[smem:$0x7F8] =	sst s1;
	s24 =	sadd.s32 $0x84600, s6  }
0x48: {  	v0 =	vand.u32 $0x7, v2;
	v2 =	vor.u32 $0x8, v2;
	v1 =	vmul.u32 $0x8, v1;
	s26 =	simm.s32 $0x1D180;
	[smem:$0x7FA] =	sst s24;
	s24 =	simm.s32 $0x1C580  }
.LBB2_1:
0x49: {  	s6 =	sld [smem:$0x7FA];
	s0 =	simm.s32 $0x0  }
.LBB2_2:
0x4a: {  	s5 =	rddreg [dreg:$0x2]  }
0x4b: {  	s5 =	sadd.s32 s0, s5  }
0x4c: {  	[tilespmem:s2], [sflag:$0x2] =	stream.linear.gather [hbm4b:s5+s2], $0x140, $0x38;
	[tilespmem:$0x1E180] =	vst v63  }
0x4d: {  	_ =	swait.ge [sflag:s7], $0x140  }
0x4e: {  	[sflag:s7] =	ssyncset.done $0x0  }
0x4f: {  	[sflag:s7] =	ssyncadd.s32 $0xFFFFFEC0  }
0x50: {  	v3 =	vld [tilespmem:$0x0];
	_ =	sdelay $0x4  }
0x51: {  	v4 =	vshrl.u32 v3, $0x3  }
0x52: {  	v4 =	vmul.u32 $0x18, v4  }
0x53: {  	v3 =	vand.u32 $0x7, v3  }
0x54: {  	v3 =	vor.u32 v3, v4  }
0x55: {  	v4 =	vperm.xlane v3, v0;
	_ =	sdelay $0x1  }
0x56: {  	v4 =	vadd.s32 v1, v4;
	_ =	sdelay $0x1  }
0x57: {  	v3 =	vperm.xlane v3, v2;
	_ =	sdelay $0x1  }
0x58: {  	v3 =	vadd.s32 v1, v3  }
0x59: {  	[tilespmem:s8], [sflag:$0x1] =	stream.indirect_vreg.gather [hbm4b:s3+s2], $0x80, v4, vm0, $0xb8;
	[tilespmem:$0x1E180] =	vst v63  }
0x5a: {  	s5 =	rddreg [dreg:$0x3]  }
0x5b: {  	[tilespmem:s5], [sflag:$0x1] =	stream.indirect_vreg.gather [hbm4b:s4+s2], $0x80, v4, vm1, $0xb8;
	[tilespmem:$0x1E180] =	vst v63  }
0x5c: {  	s1 =	rddreg [dreg:$0x4]  }
0x5d: {  	[tilespmem:s1], [sflag:$0x1] =	stream.indirect_vreg.gather [hbm4b:s3+s2], $0x80, v3, vm0, $0xb8;
	[tilespmem:$0x1E180] =	vst v63  }
0x5e: {  	s5 =	rddreg [dreg:$0x5]  }
0x5f: {  	[tilespmem:s5], [sflag:$0x1] =	stream.indirect_vreg.gather [hbm4b:s4+s2], $0x80, v3, vm1, $0xb8;
	[tilespmem:$0x1E180] =	vst v63  }
0x60: {  	v3 =	vld [tilespmem:$0x10];
	_ =	sdelay $0x4  }
0x61: {  	v45 =	vshrl.u32 v3, $0x3  }
0x62: {  	v4 =	vmul.u32 $0x18, v45  }
0x63: {  	v3 =	vand.u32 $0x7, v3  }
0x64: {  	v3 =	vor.u32 v3, v4  }
0x65: {  	v4 =	vperm.xlane v3, v0;
	_ =	sdelay $0x1  }
0x66: {  	v4 =	vadd.s32 v1, v4;
	_ =	sdelay $0x1  }
0x67: {  	v3 =	vperm.xlane v3, v2;
	_ =	sdelay $0x1  }
0x68: {  	s1 =	rddreg [dreg:$0x6];
	v3 =	vadd.s32 v1, v3  }
0x69: {  	[tilespmem:s1], [sflag:$0x1] =	stream.indirect_vreg.gather [hbm4b:s3+s2], $0x80, v4, vm0, $0xb8;
	[tilespmem:$0x1E180] =	vst v63  }
0x6a: {  	s5 =	rddreg [dreg:$0x7]  }
0x6b: {  	[tilespmem:s5], [sflag:$0x1] =	stream.indirect_vreg.gather [hbm4b:s4+s2], $0x80, v4, vm1, $0xb8;
	[tilespmem:$0x1E180] =	vst v63  }
0x6c: {  	s1 =	rddreg [dreg:$0x8]  }
0x6d: {  	[tilespmem:s1], [sflag:$0x1] =	stream.indirect_vreg.gather [hbm4b:s3+s2], $0x80, v3, vm0, $0xb8;
	[tilespmem:$0x1E180] =	vst v63  }
0x6e: {  	s5 =	rddreg [dreg:$0x9]  }
0x6f: {  	[tilespmem:s5], [sflag:$0x1] =	stream.indirect_vreg.gather [hbm4b:s4+s2], $0x80, v3, vm1, $0xb8;
	[tilespmem:$0x1E180] =	vst v63  }
0x70: {  	v3 =	vld [tilespmem:$0x20];
	_ =	sdelay $0x4  }
0x71: {  	v46 =	vshrl.u32 v3, $0x3  }
0x72: {  	v4 =	vmul.u32 $0x18, v46  }
0x73: {  	v3 =	vand.u32 $0x7, v3  }
0x74: {  	v3 =	vor.u32 v3, v4  }
0x75: {  	v4 =	vperm.xlane v3, v0;
	_ =	sdelay $0x1  }
0x76: {  	v4 =	vadd.s32 v1, v4;
	_ =	sdelay $0x1  }
0x77: {  	v3 =	vperm.xlane v3, v2;
	_ =	sdelay $0x1  }
0x78: {  	s1 =	rddreg [dreg:$0xa];
	v3 =	vadd.s32 v1, v3  }
0x79: {  	[tilespmem:s1], [sflag:$0x1] =	stream.indirect_vreg.gather [hbm4b:s3+s2], $0x80, v4, vm0, $0xb8;
	[tilespmem:$0x1E180] =	vst v63  }
0x7a: {  	s5 =	rddreg [dreg:$0xb]  }
0x7b: {  	[tilespmem:s5], [sflag:$0x1] =	stream.indirect_vreg.gather [hbm4b:s4+s2], $0x80, v4, vm1, $0xb8;
	[tilespmem:$0x1E180] =	vst v63  }
0x7c: {  	s1 =	rddreg [dreg:$0xc]  }
0x7d: {  	[tilespmem:s1], [sflag:$0x1] =	stream.indirect_vreg.gather [hbm4b:s3+s2], $0x80, v3, vm0, $0xb8;
	[tilespmem:$0x1E180] =	vst v63  }
0x7e: {  	s5 =	rddreg [dreg:$0xd]  }
0x7f: {  	[tilespmem:s5], [sflag:$0x1] =	stream.indirect_vreg.gather [hbm4b:s4+s2], $0x80, v3, vm1, $0xb8;
	[tilespmem:$0x1E180] =	vst v63  }
0x80: {  	v3 =	vld [tilespmem:$0x30];
	_ =	sdelay $0x4  }
0x81: {  	v47 =	vshrl.u32 v3, $0x3  }
0x82: {  	v4 =	vmul.u32 $0x18, v47  }
0x83: {  	v3 =	vand.u32 $0x7, v3  }
0x84: {  	v3 =	vor.u32 v3, v4  }
0x85: {  	v4 =	vperm.xlane v3, v0;
	_ =	sdelay $0x1  }
0x86: {  	v4 =	vadd.s32 v1, v4;
	_ =	sdelay $0x1  }
0x87: {  	v3 =	vperm.xlane v3, v2;
	_ =	sdelay $0x1  }
0x88: {  	s1 =	rddreg [dreg:$0xe];
	v3 =	vadd.s32 v1, v3  }
0x89: {  	[tilespmem:s1], [sflag:$0x1] =	stream.indirect_vreg.gather [hbm4b:s3+s2], $0x80, v4, vm0, $0xb8;
	[tilespmem:$0x1E180] =	vst v63  }
0x8a: {  	s5 =	rddreg [dreg:$0xf]  }
0x8b: {  	[tilespmem:s5], [sflag:$0x1] =	stream.indirect_vreg.gather [hbm4b:s4+s2], $0x80, v4, vm1, $0xb8;
	[tilespmem:$0x1E180] =	vst v63  }
0x8c: {  	s1 =	rddreg [dreg:$0x10]  }
0x8d: {  	[tilespmem:s1], [sflag:$0x1] =	stream.indirect_vreg.gather [hbm4b:s3+s2], $0x80, v3, vm0, $0xb8;
	[tilespmem:$0x1E180] =	vst v63  }
0x8e: {  	s5 =	rddreg [dreg:$0x11]  }
0x8f: {  	[tilespmem:s5], [sflag:$0x1] =	stream.indirect_vreg.gather [hbm4b:s4+s2], $0x80, v3, vm1, $0xb8;
	[tilespmem:$0x1E180] =	vst v63  }
0x90: {  	v3 =	vld [tilespmem:$0x40];
	_ =	sdelay $0x4  }
0x91: {  	v48 =	vshrl.u32 v3, $0x3  }
0x92: {  	v4 =	vmul.u32 $0x18, v48  }
0x93: {  	v3 =	vand.u32 $0x7, v3  }
0x94: {  	v3 =	vor.u32 v3, v4  }
0x95: {  	v4 =	vperm.xlane v3, v0;
	_ =	sdelay $0x1  }
0x96: {  	v4 =	vadd.s32 v1, v4;
	_ =	sdelay $0x1  }
0x97: {  	v3 =	vperm.xlane v3, v2;
	_ =	sdelay $0x1  }
0x98: {  	s1 =	rddreg [dreg:$0x12];
	v3 =	vadd.s32 v1, v3  }
0x99: {  	[tilespmem:s1], [sflag:$0x1] =	stream.indirect_vreg.gather [hbm4b:s3+s2], $0x80, v4, vm0, $0xb8;
	[tilespmem:$0x1E180] =	vst v63  }
0x9a: {  	s5 =	rddreg [dreg:$0x13]  }
0x9b: {  	[tilespmem:s5], [sflag:$0x1] =	stream.indirect_vreg.gather [hbm4b:s4+s2], $0x80, v4, vm1, $0xb8;
	[tilespmem:$0x1E180] =	vst v63  }
0x9c: {  	s1 =	rddreg [dreg:$0x14]  }
0x9d: {  	[tilespmem:s1], [sflag:$0x1] =	stream.indirect_vreg.gather [hbm4b:s3+s2], $0x80, v3, vm0, $0xb8;
	[tilespmem:$0x1E180] =	vst v63  }
0x9e: {  	s5 =	rddreg [dreg:$0x15]  }
0x9f: {  	[tilespmem:s5], [sflag:$0x1] =	stream.indirect_vreg.gather [hbm4b:s4+s2], $0x80, v3, vm1, $0xb8;
	[tilespmem:$0x1E180] =	vst v63  }
0xa0: {  	v3 =	vld [tilespmem:$0x50];
	_ =	sdelay $0x4  }
0xa1: {  	v49 =	vshrl.u32 v3, $0x3  }
0xa2: {  	v4 =	vmul.u32 $0x18, v49  }
0xa3: {  	v3 =	vand.u32 $0x7, v3  }
0xa4: {  	v3 =	vor.u32 v3, v4  }
0xa5: {  	v4 =	vperm.xlane v3, v0;
	_ =	sdelay $0x1  }
0xa6: {  	v4 =	vadd.s32 v1, v4;
	_ =	sdelay $0x1  }
0xa7: {  	v3 =	vperm.xlane v3, v2;
	_ =	sdelay $0x1  }
0xa8: {  	s1 =	rddreg [dreg:$0x16];
	v3 =	vadd.s32 v1, v3  }
0xa9: {  	[tilespmem:s1], [sflag:$0x1] =	stream.indirect_vreg.gather [hbm4b:s3+s2], $0x80, v4, vm0, $0xb8;
	[tilespmem:$0x1E180] =	vst v63  }
0xaa: {  	s5 =	rddreg [dreg:$0x17]  }
0xab: {  	[tilespmem:s5], [sflag:$0x1] =	stream.indirect_vreg.gather [hbm4b:s4+s2], $0x80, v4, vm1, $0xb8;
	[tilespmem:$0x1E180] =	vst v63  }
0xac: {  	s1 =	rddreg [dreg:$0x18]  }
0xad: {  	[tilespmem:s1], [sflag:$0x1] =	stream.indirect_vreg.gather [hbm4b:s3+s2], $0x80, v3, vm0, $0xb8;
	[tilespmem:$0x1E180] =	vst v63  }
0xae: {  	s5 =	rddreg [dreg:$0x19]  }
0xaf: {  	[tilespmem:s5], [sflag:$0x1] =	stream.indirect_vreg.gather [hbm4b:s4+s2], $0x80, v3, vm1, $0xb8;
	[tilespmem:$0x1E180] =	vst v63  }
0xb0: {  	v3 =	vld [tilespmem:$0x60];
	_ =	sdelay $0x4  }
0xb1: {  	v50 =	vshrl.u32 v3, $0x3  }
0xb2: {  	v4 =	vmul.u32 $0x18, v50  }
0xb3: {  	v3 =	vand.u32 $0x7, v3  }
0xb4: {  	v3 =	vor.u32 v3, v4  }
0xb5: {  	v4 =	vperm.xlane v3, v0;
	_ =	sdelay $0x1  }
0xb6: {  	v4 =	vadd.s32 v1, v4;
	_ =	sdelay $0x1  }
0xb7: {  	v3 =	vperm.xlane v3, v2;
	_ =	sdelay $0x1  }
0xb8: {  	s1 =	rddreg [dreg:$0x1a];
	v3 =	vadd.s32 v1, v3  }
0xb9: {  	[tilespmem:s1], [sflag:$0x1] =	stream.indirect_vreg.gather [hbm4b:s3+s2], $0x80, v4, vm0, $0xb8;
	[tilespmem:$0x1E180] =	vst v63  }
0xba: {  	s5 =	rddreg [dreg:$0x1b]  }
0xbb: {  	[tilespmem:s5], [sflag:$0x1] =	stream.indirect_vreg.gather [hbm4b:s4+s2], $0x80, v4, vm1, $0xb8;
	[tilespmem:$0x1E180] =	vst v63  }
0xbc: {  	s1 =	rddreg [dreg:$0x1c]  }
0xbd: {  	[tilespmem:s1], [sflag:$0x1] =	stream.indirect_vreg.gather [hbm4b:s3+s2], $0x80, v3, vm0, $0xb8;
	[tilespmem:$0x1E180] =	vst v63  }
0xbe: {  	s5 =	rddreg [dreg:$0x1d]  }
0xbf: {  	[tilespmem:s5], [sflag:$0x1] =	stream.indirect_vreg.gather [hbm4b:s4+s2], $0x80, v3, vm1, $0xb8;
	[tilespmem:$0x1E180] =	vst v63  }
0xc0: {  	v3 =	vld [tilespmem:$0x70];
	_ =	sdelay $0x4  }
0xc1: {  	v51 =	vshrl.u32 v3, $0x3  }
0xc2: {  	v4 =	vmul.u32 $0x18, v51  }
0xc3: {  	v3 =	vand.u32 $0x7, v3  }
0xc4: {  	v3 =	vor.u32 v3, v4  }
0xc5: {  	v4 =	vperm.xlane v3, v0;
	_ =	sdelay $0x1  }
0xc6: {  	v4 =	vadd.s32 v1, v4;
	_ =	sdelay $0x1  }
0xc7: {  	v3 =	vperm.xlane v3, v2  }
0xc8: {  	s1 =	rddreg [dreg:$0x1e]  }
0xc9: {  	s5 =	rddreg [dreg:$0x1f];
	v3 =	vadd.s32 v1, v3  }
0xca: {  	[tilespmem:s1], [sflag:$0x1] =	stream.indirect_vreg.gather [hbm4b:s3+s2], $0x80, v4, vm0, $0xb8;
	[tilespmem:$0x1E180] =	vst v63  }
0xcb: {  	s1 =	sld [smem:$0x7DE]  }
0xcc: {  	[tilespmem:s5], [sflag:$0x1] =	stream.indirect_vreg.gather [hbm4b:s4+s2], $0x80, v4, vm1, $0xb8;
	[tilespmem:$0x1E180] =	vst v63  }
0xcd: {  	s5 =	sld [smem:$0x7DF]  }
0xce: {  	[tilespmem:s1], [sflag:$0x1] =	stream.indirect_vreg.gather [hbm4b:s3+s2], $0x80, v3, vm0, $0xb8;
	[tilespmem:$0x1E180] =	vst v63  }
0xcf: {  	_ = 	snop  }
0xd0: {  	[tilespmem:s5], [sflag:$0x1] =	stream.indirect_vreg.gather [hbm4b:s4+s2], $0x80, v3, vm1, $0xb8;
	[tilespmem:$0x1E180] =	vst v63  }
0xd1: {  	v3 =	vld [tilespmem:$0x80];
	_ =	sdelay $0x4  }
0xd2: {  	v52 =	vshrl.u32 v3, $0x3  }
0xd3: {  	v4 =	vmul.u32 $0x18, v52  }
0xd4: {  	v3 =	vand.u32 $0x7, v3  }
0xd5: {  	v3 =	vor.u32 v3, v4  }
0xd6: {  	v4 =	vperm.xlane v3, v0;
	_ =	sdelay $0x1  }
0xd7: {  	v4 =	vadd.s32 v1, v4;
	_ =	sdelay $0x1  }
0xd8: {  	s1 =	sld [smem:$0x7E0];
	v3 =	vperm.xlane v3, v2;
	_ =	sdelay $0x1  }
0xd9: {  	s5 =	sld [smem:$0x7E1];
	v3 =	vadd.s32 v1, v3  }
0xda: {  	[tilespmem:s1], [sflag:$0x1] =	stream.indirect_vreg.gather [hbm4b:s3+s2], $0x80, v4, vm0, $0xb8;
	[tilespmem:$0x1E180] =	vst v63  }
0xdb: {  	s1 =	sld [smem:$0x7E2]  }
0xdc: {  	[tilespmem:s5], [sflag:$0x1] =	stream.indirect_vreg.gather [hbm4b:s4+s2], $0x80, v4, vm1, $0xb8;
	[tilespmem:$0x1E180] =	vst v63  }
0xdd: {  	s5 =	sld [smem:$0x7E3]  }
0xde: {  	[tilespmem:s1], [sflag:$0x1] =	stream.indirect_vreg.gather [hbm4b:s3+s2], $0x80, v3, vm0, $0xb8;
	[tilespmem:$0x1E180] =	vst v63  }
0xdf: {  	_ = 	snop  }
0xe0: {  	[tilespmem:s5], [sflag:$0x1] =	stream.indirect_vreg.gather [hbm4b:s4+s2], $0x80, v3, vm1, $0xb8;
	[tilespmem:$0x1E180] =	vst v63  }
0xe1: {  	v3 =	vld [tilespmem:$0x90];
	_ =	sdelay $0x4  }
0xe2: {  	v53 =	vshrl.u32 v3, $0x3  }
0xe3: {  	v4 =	vmul.u32 $0x18, v53  }
0xe4: {  	v3 =	vand.u32 $0x7, v3  }
0xe5: {  	v3 =	vor.u32 v3, v4  }
0xe6: {  	v4 =	vperm.xlane v3, v0;
	_ =	sdelay $0x1  }
0xe7: {  	v4 =	vadd.s32 v1, v4;
	_ =	sdelay $0x1  }
0xe8: {  	s1 =	sld [smem:$0x7E4];
	v3 =	vperm.xlane v3, v2;
	_ =	sdelay $0x1  }
0xe9: {  	s5 =	sld [smem:$0x7E5];
	v3 =	vadd.s32 v1, v3  }
0xea: {  	[tilespmem:s1], [sflag:$0x1] =	stream.indirect_vreg.gather [hbm4b:s3+s2], $0x80, v4, vm0, $0xb8;
	[tilespmem:$0x1E180] =	vst v63  }
0xeb: {  	s1 =	sld [smem:$0x7E6]  }
0xec: {  	[tilespmem:s5], [sflag:$0x1] =	stream.indirect_vreg.gather [hbm4b:s4+s2], $0x80, v4, vm1, $0xb8;
	[tilespmem:$0x1E180] =	vst v63  }
0xed: {  	s5 =	sld [smem:$0x7E7]  }
0xee: {  	[tilespmem:s1], [sflag:$0x1] =	stream.indirect_vreg.gather [hbm4b:s3+s2], $0x80, v3, vm0, $0xb8;
	[tilespmem:$0x1E180] =	vst v63  }
0xef: {  	_ = 	snop  }
0xf0: {  	[tilespmem:s5], [sflag:$0x1] =	stream.indirect_vreg.gather [hbm4b:s4+s2], $0x80, v3, vm1, $0xb8;
	[tilespmem:$0x1E180] =	vst v63  }
0xf1: {  	v3 =	vld [tilespmem:$0xA0];
	_ =	sdelay $0x4  }
0xf2: {  	v54 =	vshrl.u32 v3, $0x3  }
0xf3: {  	v4 =	vmul.u32 $0x18, v54  }
0xf4: {  	v3 =	vand.u32 $0x7, v3  }
0xf5: {  	v3 =	vor.u32 v3, v4  }
0xf6: {  	v4 =	vperm.xlane v3, v0;
	_ =	sdelay $0x1  }
0xf7: {  	v4 =	vadd.s32 v1, v4;
	_ =	sdelay $0x1  }
0xf8: {  	s1 =	sld [smem:$0x7E8];
	v3 =	vperm.xlane v3, v2;
	_ =	sdelay $0x1  }
0xf9: {  	s5 =	sld [smem:$0x7E9];
	v3 =	vadd.s32 v1, v3  }
0xfa: {  	[tilespmem:s1], [sflag:$0x1] =	stream.indirect_vreg.gather [hbm4b:s3+s2], $0x80, v4, vm0, $0xb8;
	[tilespmem:$0x1E180] =	vst v63  }
0xfb: {  	s1 =	sld [smem:$0x7EA]  }
0xfc: {  	[tilespmem:s5], [sflag:$0x1] =	stream.indirect_vreg.gather [hbm4b:s4+s2], $0x80, v4, vm1, $0xb8;
	[tilespmem:$0x1E180] =	vst v63  }
0xfd: {  	s5 =	sld [smem:$0x7EB]  }
0xfe: {  	[tilespmem:s1], [sflag:$0x1] =	stream.indirect_vreg.gather [hbm4b:s3+s2], $0x80, v3, vm0, $0xb8;
	[tilespmem:$0x1E180] =	vst v63  }
0xff: {  	_ = 	snop  }
0x100: {  	[tilespmem:s5], [sflag:$0x1] =	stream.indirect_vreg.gather [hbm4b:s4+s2], $0x80, v3, vm1, $0xb8;
	[tilespmem:$0x1E180] =	vst v63  }
0x101: {  	v3 =	vld [tilespmem:$0xB0];
	_ =	sdelay $0x4  }
0x102: {  	v55 =	vshrl.u32 v3, $0x3  }
0x103: {  	v4 =	vmul.u32 $0x18, v55  }
0x104: {  	v3 =	vand.u32 $0x7, v3  }
0x105: {  	v3 =	vor.u32 v3, v4  }
0x106: {  	v4 =	vperm.xlane v3, v0;
	_ =	sdelay $0x1  }
0x107: {  	v4 =	vadd.s32 v1, v4;
	_ =	sdelay $0x1  }
0x108: {  	s1 =	sld [smem:$0x7EC];
	v3 =	vperm.xlane v3, v2;
	_ =	sdelay $0x1  }
0x109: {  	s5 =	sld [smem:$0x7ED];
	v3 =	vadd.s32 v1, v3  }
0x10a: {  	[tilespmem:s1], [sflag:$0x1] =	stream.indirect_vreg.gather [hbm4b:s3+s2], $0x80, v4, vm0, $0xb8;
	[tilespmem:$0x1E180] =	vst v63  }
0x10b: {  	s1 =	sld [smem:$0x7EE]  }
0x10c: {  	[tilespmem:s5], [sflag:$0x1] =	stream.indirect_vreg.gather [hbm4b:s4+s2], $0x80, v4, vm1, $0xb8;
	[tilespmem:$0x1E180] =	vst v63  }
0x10d: {  	s5 =	sld [smem:$0x7EF]  }
0x10e: {  	[tilespmem:s1], [sflag:$0x1] =	stream.indirect_vreg.gather [hbm4b:s3+s2], $0x80, v3, vm0, $0xb8;
	[tilespmem:$0x1E180] =	vst v63  }
0x10f: {  	_ = 	snop  }
0x110: {  	[tilespmem:s5], [sflag:$0x1] =	stream.indirect_vreg.gather [hbm4b:s4+s2], $0x80, v3, vm1, $0xb8;
	[tilespmem:$0x1E180] =	vst v63  }
0x111: {  	v3 =	vld [tilespmem:$0xC0];
	_ =	sdelay $0x4  }
0x112: {  	v56 =	vshrl.u32 v3, $0x3  }
0x113: {  	v4 =	vmul.u32 $0x18, v56  }
0x114: {  	v3 =	vand.u32 $0x7, v3  }
0x115: {  	v3 =	vor.u32 v3, v4  }
0x116: {  	v4 =	vperm.xlane v3, v0;
	_ =	sdelay $0x1  }
0x117: {  	v4 =	vadd.s32 v1, v4;
	_ =	sdelay $0x1  }
0x118: {  	s1 =	sld [smem:$0x7F0];
	v3 =	vperm.xlane v3, v2;
	_ =	sdelay $0x1  }
0x119: {  	s5 =	sld [smem:$0x7F1];
	v3 =	vadd.s32 v1, v3  }
0x11a: {  	[tilespmem:s1], [sflag:$0x1] =	stream.indirect_vreg.gather [hbm4b:s3+s2], $0x80, v4, vm0, $0xb8;
	[tilespmem:$0x1E180] =	vst v63  }
0x11b: {  	s1 =	sld [smem:$0x7F2]  }
0x11c: {  	[tilespmem:s5], [sflag:$0x1] =	stream.indirect_vreg.gather [hbm4b:s4+s2], $0x80, v4, vm1, $0xb8;
	[tilespmem:$0x1E180] =	vst v63  }
0x11d: {  	s5 =	sld [smem:$0x7F3]  }
0x11e: {  	[tilespmem:s1], [sflag:$0x1] =	stream.indirect_vreg.gather [hbm4b:s3+s2], $0x80, v3, vm0, $0xb8;
	[tilespmem:$0x1E180] =	vst v63  }
0x11f: {  	_ = 	snop  }
0x120: {  	[tilespmem:s5], [sflag:$0x1] =	stream.indirect_vreg.gather [hbm4b:s4+s2], $0x80, v3, vm1, $0xb8;
	[tilespmem:$0x1E180] =	vst v63  }
0x121: {  	v3 =	vld [tilespmem:$0xD0];
	_ =	sdelay $0x4  }
0x122: {  	v57 =	vshrl.u32 v3, $0x3  }
0x123: {  	v4 =	vmul.u32 $0x18, v57  }
0x124: {  	v3 =	vand.u32 $0x7, v3  }
0x125: {  	v3 =	vor.u32 v3, v4  }
0x126: {  	v4 =	vperm.xlane v3, v0;
	_ =	sdelay $0x1  }
0x127: {  	v4 =	vadd.s32 v1, v4;
	_ =	sdelay $0x1  }
0x128: {  	s1 =	sld [smem:$0x7F4];
	v3 =	vperm.xlane v3, v2;
	_ =	sdelay $0x1  }
0x129: {  	s5 =	sld [smem:$0x7F5];
	v3 =	vadd.s32 v1, v3  }
0x12a: {  	[tilespmem:s1], [sflag:$0x1] =	stream.indirect_vreg.gather [hbm4b:s3+s2], $0x80, v4, vm0, $0xb8;
	[tilespmem:$0x1E180] =	vst v63  }
0x12b: {  	s1 =	sld [smem:$0x7F6]  }
0x12c: {  	[tilespmem:s5], [sflag:$0x1] =	stream.indirect_vreg.gather [hbm4b:s4+s2], $0x80, v4, vm1, $0xb8;
	[tilespmem:$0x1E180] =	vst v63  }
0x12d: {  	s5 =	sld [smem:$0x7F7]  }
0x12e: {  	[tilespmem:s1], [sflag:$0x1] =	stream.indirect_vreg.gather [hbm4b:s3+s2], $0x80, v3, vm0, $0xb8;
	[tilespmem:$0x1E180] =	vst v63  }
0x12f: {  	_ = 	snop  }
0x130: {  	[tilespmem:s5], [sflag:$0x1] =	stream.indirect_vreg.gather [hbm4b:s4+s2], $0x80, v3, vm1, $0xb8;
	[tilespmem:$0x1E180] =	vst v63  }
0x131: {  	v3 =	vld [tilespmem:$0xE0];
	_ =	sdelay $0x4  }
0x132: {  	v58 =	vshrl.u32 v3, $0x3  }
0x133: {  	v4 =	vmul.u32 $0x18, v58  }
0x134: {  	v3 =	vand.u32 $0x7, v3  }
0x135: {  	v3 =	vor.u32 v3, v4  }
0x136: {  	v4 =	vperm.xlane v3, v0;
	_ =	sdelay $0x1  }
0x137: {  	v4 =	vadd.s32 v1, v4;
	_ =	sdelay $0x1  }
0x138: {  	s1 =	sld [smem:$0x7F9];
	v3 =	vperm.xlane v3, v2;
	_ =	sdelay $0x1  }
0x139: {  	s5 =	sld [smem:$0x7FB];
	v3 =	vadd.s32 v1, v3  }
0x13a: {  	[tilespmem:s1], [sflag:$0x1] =	stream.indirect_vreg.gather [hbm4b:s3+s2], $0x80, v4, vm0, $0xb8;
	[tilespmem:$0x1E180] =	vst v63  }
0x13b: {  	s1 =	sld [smem:$0x7FC]  }
0x13c: {  	[tilespmem:s5], [sflag:$0x1] =	stream.indirect_vreg.gather [hbm4b:s4+s2], $0x80, v4, vm1, $0xb8;
	[tilespmem:$0x1E180] =	vst v63  }
0x13d: {  	s5 =	sld [smem:$0x7FD]  }
0x13e: {  	[tilespmem:s1], [sflag:$0x1] =	stream.indirect_vreg.gather [hbm4b:s3+s2], $0x80, v3, vm0, $0xb8;
	[tilespmem:$0x1E180] =	vst v63  }
0x13f: {  	_ = 	snop  }
0x140: {  	[tilespmem:s5], [sflag:$0x1] =	stream.indirect_vreg.gather [hbm4b:s4+s2], $0x80, v3, vm1, $0xb8;
	[tilespmem:$0x1E180] =	vst v63  }
0x141: {  	v3 =	vld [tilespmem:$0xF0];
	_ =	sdelay $0x4  }
0x142: {  	v59 =	vshrl.u32 v3, $0x3  }
0x143: {  	v4 =	vmul.u32 $0x18, v59  }
0x144: {  	v3 =	vand.u32 $0x7, v3  }
0x145: {  	v3 =	vor.u32 v3, v4  }
0x146: {  	v4 =	vperm.xlane v3, v0;
	_ =	sdelay $0x1  }
0x147: {  	v4 =	vadd.s32 v1, v4;
	_ =	sdelay $0x1  }
0x148: {  	v3 =	vperm.xlane v3, v2;
	_ =	sdelay $0x1  }
0x149: {  	v3 =	vadd.s32 v1, v3  }
0x14a: {  	[tilespmem:s9], [sflag:$0x1] =	stream.indirect_vreg.gather [hbm4b:s3+s2], $0x80, v4, vm0, $0xb8;
	[tilespmem:$0x1E180] =	vst v63  }
0x14b: {  	_ = 	snop  }
0x14c: {  	[tilespmem:s10], [sflag:$0x1] =	stream.indirect_vreg.gather [hbm4b:s4+s2], $0x80, v4, vm1, $0xb8;
	[tilespmem:$0x1E180] =	vst v63  }
0x14d: {  	_ = 	snop  }
0x14e: {  	[tilespmem:s11], [sflag:$0x1] =	stream.indirect_vreg.gather [hbm4b:s3+s2], $0x80, v3, vm0, $0xb8;
	[tilespmem:$0x1E180] =	vst v63  }
0x14f: {  	_ = 	snop  }
0x150: {  	[tilespmem:s12], [sflag:$0x1] =	stream.indirect_vreg.gather [hbm4b:s4+s2], $0x80, v3, vm1, $0xb8;
	[tilespmem:$0x1E180] =	vst v63  }
0x151: {  	v3 =	vld [tilespmem:$0x100];
	_ =	sdelay $0x4  }
0x152: {  	v60 =	vshrl.u32 v3, $0x3  }
0x153: {  	v4 =	vmul.u32 $0x18, v60  }
0x154: {  	v3 =	vand.u32 $0x7, v3  }
0x155: {  	v3 =	vor.u32 v3, v4  }
0x156: {  	v4 =	vperm.xlane v3, v0;
	_ =	sdelay $0x1  }
0x157: {  	v4 =	vadd.s32 v1, v4;
	_ =	sdelay $0x1  }
0x158: {  	v3 =	vperm.xlane v3, v2;
	_ =	sdelay $0x1  }
0x159: {  	v3 =	vadd.s32 v1, v3  }
0x15a: {  	[tilespmem:s13], [sflag:$0x1] =	stream.indirect_vreg.gather [hbm4b:s3+s2], $0x80, v4, vm0, $0xb8;
	[tilespmem:$0x1E180] =	vst v63  }
0x15b: {  	_ = 	snop  }
0x15c: {  	[tilespmem:s14], [sflag:$0x1] =	stream.indirect_vreg.gather [hbm4b:s4+s2], $0x80, v4, vm1, $0xb8;
	[tilespmem:$0x1E180] =	vst v63  }
0x15d: {  	_ = 	snop  }
0x15e: {  	[tilespmem:s15], [sflag:$0x1] =	stream.indirect_vreg.gather [hbm4b:s3+s2], $0x80, v3, vm0, $0xb8;
	[tilespmem:$0x1E180] =	vst v63  }
0x15f: {  	_ = 	snop  }
0x160: {  	[tilespmem:s16], [sflag:$0x1] =	stream.indirect_vreg.gather [hbm4b:s4+s2], $0x80, v3, vm1, $0xb8;
	[tilespmem:$0x1E180] =	vst v63  }
0x161: {  	v3 =	vld [tilespmem:$0x110];
	_ =	sdelay $0x4  }
0x162: {  	v61 =	vshrl.u32 v3, $0x3  }
0x163: {  	v4 =	vmul.u32 $0x18, v61  }
0x164: {  	v3 =	vand.u32 $0x7, v3  }
0x165: {  	v3 =	vor.u32 v3, v4  }
0x166: {  	v4 =	vperm.xlane v3, v0;
	_ =	sdelay $0x1  }
0x167: {  	v4 =	vadd.s32 v1, v4;
	_ =	sdelay $0x1  }
0x168: {  	v3 =	vperm.xlane v3, v2;
	_ =	sdelay $0x1  }
0x169: {  	v3 =	vadd.s32 v1, v3  }
0x16a: {  	[tilespmem:s17], [sflag:$0x1] =	stream.indirect_vreg.gather [hbm4b:s3+s2], $0x80, v4, vm0, $0xb8;
	[tilespmem:$0x1E180] =	vst v63  }
0x16b: {  	_ = 	snop  }
0x16c: {  	[tilespmem:s18], [sflag:$0x1] =	stream.indirect_vreg.gather [hbm4b:s4+s2], $0x80, v4, vm1, $0xb8;
	[tilespmem:$0x1E180] =	vst v63  }
0x16d: {  	_ = 	snop  }
0x16e: {  	[tilespmem:s19], [sflag:$0x1] =	stream.indirect_vreg.gather [hbm4b:s3+s2], $0x80, v3, vm0, $0xb8;
	[tilespmem:$0x1E180] =	vst v63  }
0x16f: {  	_ = 	snop  }
0x170: {  	[tilespmem:s20], [sflag:$0x1] =	stream.indirect_vreg.gather [hbm4b:s4+s2], $0x80, v3, vm1, $0xb8;
	[tilespmem:$0x1E180] =	vst v63  }
0x171: {  	v3 =	vld [tilespmem:$0x120];
	_ =	sdelay $0x4  }
0x172: {  	v62 =	vshrl.u32 v3, $0x3  }
0x173: {  	v4 =	vmul.u32 $0x18, v62  }
0x174: {  	v3 =	vand.u32 $0x7, v3  }
0x175: {  	v3 =	vor.u32 v3, v4  }
0x176: {  	v4 =	vperm.xlane v3, v0;
	_ =	sdelay $0x1  }
0x177: {  	v4 =	vadd.s32 v1, v4;
	_ =	sdelay $0x1  }
0x178: {  	v3 =	vperm.xlane v3, v2;
	_ =	sdelay $0x1  }
0x179: {  	v3 =	vadd.s32 v1, v3  }
0x17a: {  	[tilespmem:s21], [sflag:$0x1] =	stream.indirect_vreg.gather [hbm4b:s3+s2], $0x80, v4, vm0, $0xb8;
	[tilespmem:$0x1E180] =	vst v63  }
0x17b: {  	_ = 	snop  }
0x17c: {  	[tilespmem:s22], [sflag:$0x1] =	stream.indirect_vreg.gather [hbm4b:s4+s2], $0x80, v4, vm1, $0xb8;
	[tilespmem:$0x1E180] =	vst v63  }
0x17d: {  	_ = 	snop  }
0x17e: {  	[tilespmem:s23], [sflag:$0x1] =	stream.indirect_vreg.gather [hbm4b:s3+s2], $0x80, v3, vm0, $0xb8;
	[tilespmem:$0x1E180] =	vst v63  }
0x17f: {  	_ = 	snop  }
0x180: {  	[tilespmem:s24], [sflag:$0x1] =	stream.indirect_vreg.gather [hbm4b:s4+s2], $0x80, v3, vm1, $0xb8;
	[tilespmem:$0x1E180] =	vst v63  }
0x181: {  	v3 =	vld [tilespmem:$0x130];
	_ =	sdelay $0x4  }
0x182: {  	v63 =	vshrl.u32 v3, $0x3  }
0x183: {  	v4 =	vmul.u32 $0x18, v63  }
0x184: {  	v3 =	vand.u32 $0x7, v3  }
0x185: {  	v3 =	vor.u32 v3, v4  }
0x186: {  	v4 =	vperm.xlane v3, v0;
	_ =	sdelay $0x1  }
0x187: {  	v4 =	vadd.s32 v1, v4;
	_ =	sdelay $0x1  }
0x188: {  	v3 =	vperm.xlane v3, v2;
	_ =	sdelay $0x1  }
0x189: {  	v3 =	vadd.s32 v1, v3  }
0x18a: {  	[tilespmem:s25], [sflag:$0x1] =	stream.indirect_vreg.gather [hbm4b:s3+s2], $0x80, v4, vm0, $0xb8;
	[tilespmem:$0x1E180] =	vst v63  }
0x18b: {  	_ = 	snop  }
0x18c: {  	[tilespmem:s26], [sflag:$0x1] =	stream.indirect_vreg.gather [hbm4b:s4+s2], $0x80, v4, vm1, $0xb8;
	[tilespmem:$0x1E180] =	vst v63  }
0x18d: {  	_ = 	snop  }
0x18e: {  	[tilespmem:s28], [sflag:$0x1] =	stream.indirect_vreg.gather [hbm4b:s3+s2], $0x80, v3, vm0, $0xb8;
	[tilespmem:$0x1E180] =	vst v63  }
0x18f: {  	_ = 	snop  }
0x190: {  	[tilespmem:s29], [sflag:$0x1] =	stream.indirect_vreg.gather [hbm4b:s4+s2], $0x80, v3, vm1, $0xb8;
	[tilespmem:$0x1E180] =	vst v63  }
0x191: {  	_ =	swait.ge [sflag:s30], $0x1E000  }
0x192: {  	p0 =	sne.s32 s0, $0x488;
	[sflag:s30] =	ssyncset.done $0x0  }
.Ltmp0:
0x193: {  	[sflag:s30] =	ssyncadd.s32 $0xFFFE2000;
	(pc) =	sbr.rel @p0 .LBB2_2-.Ltmp0, $4  }
0x194: {  	[hbm4b:s6+s2] =	stream.linear.scatter [tilespmem:s8], [sflag:$0x2], $0x1E000, $0x38;
	[tilespmem:$0x1E180] =	vst v63  }
0x195: {  	_ =	swait.ge [sflag:s7], $0x1E000  }
0x196: {  	[sflag:s7] =	ssyncset.done $0x0  }
0x197: {  	s0 =	sadd.s32 $0x28, s0;
	s6 =	sadd.s32 $0x3C00, s6;
	[sflag:s7] =	ssyncadd.s32 $0xFFFE2000  }
0x198: {  	s0 =	sld [smem:$0x7F8];
	_ =	sdelay $0x1  }
0x199: {  	s31 =	sadd.s32 $0x1, s31  }
0x19a: {  	p0 =	sne.s32 s31, s0  }
.Ltmp1:
0x19b: {  	_ = 	snop;
	(pc) =	sbr.rel @p0 .LBB2_1-.Ltmp1, $1  }
0x19c: {  	_ =	sdelay $0x3  }
0x19d: {  	_ =	sfence.sel $0x180000  }
0x19e: {  	[bflag:$0x0] =	sbarrier.arrive $0xFFFF  }
0x19f: {  	_ =	strace $0x90000047  }
0x1a0: {  	s0 =	stileid.u32;
	[bflag:$0x2] =	sbarrier.arrive $0xFFFF  }
0x1a1: {  	p0 =	sne.s32 s0, $0x0;
	s0 =	rddreg [dreg:$0x1]  }
0x1a2: {  	s0 =	sadd.s32 @!p0 $0x100000, s0  }
0x1a3: {  	[sflag:s0] =	ssyncadd.tile.s32 @!p0 $0x1;
	_ =	shalt  }
.Lfunc_end2:
_tile_overlayer_lowered:
.L_overlay_start_2:
0x1a4: {  	(tag) =	ssettag $0x2  }
0x1a5: {  	s0 =	rddreg [dreg:$0x0];
	s2 =	stileid.u32  }
0x1a6: {  	s1 =	rddreg [dreg:$0x1];
	p0 =	sne.s32 s2, $0x0  }
0x1a7: {  	s3 =	rddreg [dreg:$0x2];
	[bflag:$0x3] =	sbarrier.arrive $0xFFFF;
	s2 =	simm.s32 @!p0 $0x1C02  }
0x1a8: {  	[timem:s3], [sflag:s2] =	dma.local @!p0 [hbm:s0], s1  }
0x1a9: {  	s0 =	simm.s32 @!p0 $0x2  }
0x1aa: {  	_ =	swait.ge @!p0 [sflag:s0], s1  }
0x1ab: {  	s1 =	ssub.s32 @!p0 $0x0, s1;
	[sflag:s0] =	ssyncset.done @!p0 $0x0  }
0x1ac: {  	[sflag:s0] =	ssyncadd.s32 @!p0 s1  }
0x1ad: {  	[bflag:$0x3] =	sbarrier.arrive $0xFFFF  }
0x1ae: {  	_ =	shalt  }

</sc_bundles>
